<compile_context>
chip_gen: v7x
topology: tpu7x:2x2x1
jax: 0.10.2.dev20260603
libtpu: 0.0.44.dev20260713+nightly
codegen_flags: <defaults>
</compile_context>

<pallas_src>
import functools

import jax
import jax.numpy as jnp
from jax import lax
from jax.experimental import pallas as pl
from jax.experimental.pallas import tpu as pltpu
from jax.experimental.pallas import tpu_sc as plsc

NUM_CLASSES = 100000
LATENT_DIM = 64
BATCH = 16384

NC = 2
NS = 16
LANES = 16
NW = NC * NS
ROWS_PER_W = LATENT_DIM // NW
ECHUNK = 4096
UNROLL = 4

CH = (NUM_CLASSES // 2 + 127) // 128 * 128
HALF_LO = (0, CH)
HALF_LEN = (CH, NUM_CLASSES - CH)


def _make_partials():
    mesh = plsc.VectorSubcoreMesh(core_axis_name="c", subcore_axis_name="s")

    @functools.partial(
        pl.kernel,
        mesh=mesh,
        out_type=jax.ShapeDtypeStruct((NW, LANES), jnp.float32),
        compiler_params=pltpu.CompilerParams(use_tc_tiling_on_sc=True,
                                             needs_layout_passes=False,
                                             skip_device_barrier=True),
        scratch_types=[
            pltpu.VMEM((BATCH,), jnp.int32),
            pltpu.VMEM((CH,), jnp.float32),
            pltpu.VMEM((NUM_CLASSES - CH,), jnp.float32),
            pltpu.VMEM((ECHUNK,), jnp.float32),
            pltpu.VMEM((ECHUNK,), jnp.float32),
            pltpu.VMEM((LANES,), jnp.float32),
            pltpu.SemaphoreType.DMA,
            pltpu.SemaphoreType.DMA,
            pltpu.SemaphoreType.DMA,
            pltpu.SemaphoreType.DMA,
        ],
    )
    def partials(emb_hbm, lab_hbm, cen_hbm, out_hbm,
                 lbuf, crow_a, crow_b, ebuf0, ebuf1, part_v,
                 sem0, sem1, esem0, esem1):
        wid = lax.axis_index("s") * NC + lax.axis_index("c")

        NCHUNKS = BATCH // ECHUNK
        ebufs = (ebuf0, ebuf1)
        esems = (esem0, esem1)

        def start_e(d, cidx):
            return pltpu.async_copy(
                emb_hbm.at[d, pl.ds(cidx * ECHUNK, ECHUNK)],
                ebufs[cidx % 2], esems[cidx % 2])

        def start_crow(r):
            d = wid + NW * r
            return (pltpu.async_copy(cen_hbm.at[d, pl.ds(0, CH)], crow_a,
                                     sem0),
                    pltpu.async_copy(
                        cen_hbm.at[d, pl.ds(CH, NUM_CLASSES - CH)], crow_b,
                        sem1))

        cps = start_crow(0)
        ecp = start_e(wid, 0)
        pltpu.sync_copy(lab_hbm, lbuf)

        acc = jnp.zeros((LANES,), jnp.float32)
        for r in range(ROWS_PER_W):
            d = wid + NW * r
            cps[0].wait()
            cps[1].wait()
            for cidx in range(NCHUNKS):
                ecp.wait()
                if cidx + 1 < NCHUNKS:
                    ecp = start_e(d, cidx + 1)
                base = cidx * ECHUNK
                ebuf_r = ebufs[cidx % 2]

                def body(j, a, _base=base, _ebuf=ebuf_r):
                    for u in range(UNROLL):
                        off = (j * UNROLL + u) * LANES
                        lab = lbuf[pl.ds(_base + off, LANES)]
                        e = _ebuf[pl.ds(off, LANES)]
                        in_a = lab < CH
                        ia = jnp.minimum(lab, CH - 1)
                        ib = jnp.maximum(lab - CH, 0)
                        ga = plsc.load_gather(crow_a, [ia], mask=in_a)
                        gb = plsc.load_gather(crow_b, [ib], mask=~in_a)
                        g = jnp.where(in_a, ga, gb)
                        dlt = e - g
                        a = a + dlt * dlt
                    return a

                acc = lax.fori_loop(0, ECHUNK // LANES // UNROLL, body, acc)
            if r + 1 < ROWS_PER_W:
                cps = start_crow(r + 1)
                ecp = start_e(wid + NW * (r + 1), 0)

        part_v[...] = acc
        pltpu.sync_copy(part_v, out_hbm.at[wid])

    return partials


_partials_kernel = _make_partials()


def kernel(embeddings, labels, centers):
    labels = labels.astype(jnp.int32)
    parts = _partials_kernel(embeddings.T, labels, centers.T)
    return jnp.sum(parts) / embeddings.shape[0]

# --- scband reference (transcript-rebuilt; emitter-appended) ---
"""Pipeline reference for scband-center-loss-26276609917041 (READ-ONLY COPY).

The authoritative reference and input builder live on the scoring server;
editing this copy changes nothing except your own understanding.
"""

import jax, jax.numpy as jnp
import numpy as np

NUM_CLASSES = 100000
LATENT_DIM = 64
BATCH = 16384


def setup_inputs(seed: int = 0) -> dict:
    key = jax.random.key(seed)
    k1, k2, k3 = jax.random.split(key, 3)
    embeddings = jax.random.normal(k1, (BATCH, LATENT_DIM), dtype=jnp.float32)
    labels = jax.random.randint(k2, (BATCH,), 0, NUM_CLASSES, dtype=jnp.int64)
    centers = jax.random.normal(k3, (NUM_CLASSES, LATENT_DIM), dtype=jnp.float32)
    return {"embeddings": embeddings, "labels": labels, "centers": centers}


def reference(embeddings, labels, centers):
    batch_size = embeddings.shape[0]
    labels = labels.astype(jnp.int32)
    centers_batch = jnp.take(centers, labels, axis=0)
    center_loss = jnp.sum((embeddings - centers_batch) ** 2) / batch_size
    return center_loss

if __name__ == "__main__":
    import jax
    _d = setup_inputs()
    print(jax.jit(kernel)(*tuple(_d.values())))

</pallas_src>

<mosaic_0001>
#map = affine_map<(d0, d1) -> (0, 0)>
#map1 = affine_map<(d0, d1) -> (0)>
module attributes {stable_mosaic.version = 14 : i64} {
  func.func @partials(%arg0: i32, %arg1: i32, %arg2: memref<64x16384xf32, #tpu.memory_space<hbm>>, %arg3: memref<16384xi32, #tpu.memory_space<hbm>>, %arg4: memref<64x100000xf32, #tpu.memory_space<hbm>>, %arg5: memref<32x16xf32, #tpu.memory_space<hbm>>, %arg6: memref<16384xi32, #tpu.memory_space<vmem>>, %arg7: memref<50048xf32, #tpu.memory_space<vmem>>, %arg8: memref<49952xf32, #tpu.memory_space<vmem>>, %arg9: memref<4096xf32, #tpu.memory_space<vmem>>, %arg10: memref<4096xf32, #tpu.memory_space<vmem>>, %arg11: memref<16xf32, #tpu.memory_space<vmem>>, %arg12: memref<!tpu.dma_semaphore, #tpu.memory_space<semaphore_mem>>, %arg13: memref<!tpu.dma_semaphore, #tpu.memory_space<semaphore_mem>>, %arg14: memref<!tpu.dma_semaphore, #tpu.memory_space<semaphore_mem>>, %arg15: memref<!tpu.dma_semaphore, #tpu.memory_space<semaphore_mem>>) attributes {dimension_semantics = [#tpu.dimension_semantics<core_parallel>, #tpu.dimension_semantics<subcore_parallel>], iteration_bounds = array<i64: 2, 16>, scalar_prefetch = 0 : i64, scratch_operands = 10 : i64, tpu.core_type = #tpu.core_type<sc_vector_subcore>, window_params = [{transform_indices = #map}, {transform_indices = #map1}, {transform_indices = #map}, {transform_indices = #map}]} {
    %mul3A = arith.constant 2 : i32
    %mul3A_0 = arith.muli %arg1, %mul3A : i32
    %add3A = arith.addi %mul3A_0, %arg0 : i32
    %add3A_1 = arith.constant 0 : i32
    %add3A_2 = arith.addi %add3A, %add3A_1 : i32
    %dma_start3A = arith.constant 0 : i32
    %dma_start3A_3 = tpu.memref_slice %arg4[%add3A_2, %dma_start3A] : memref<64x100000xf32, #tpu.memory_space<hbm>> -> memref<1x50048xf32, #tpu.memory_space<hbm>>
    %dma_start3A_4 = tpu.memref_squeeze %dma_start3A_3 : memref<1x50048xf32, #tpu.memory_space<hbm>> -> memref<50048xf32, #tpu.memory_space<hbm>>
    %dma_start3A_5 = arith.constant 0 : i32
    %dma_start3A_6 = tpu.memref_slice %arg4[%add3A_2, %dma_start3A_5] : memref<64x100000xf32, #tpu.memory_space<hbm>> -> memref<1x50048xf32, #tpu.memory_space<hbm>>
    %dma_start3A_7 = tpu.memref_squeeze %dma_start3A_6 : memref<1x50048xf32, #tpu.memory_space<hbm>> -> memref<50048xf32, #tpu.memory_space<hbm>>
    tpu.enqueue_dma source(%dma_start3A_7 : memref<50048xf32, #tpu.memory_space<hbm>>) target(%arg7 : memref<50048xf32, #tpu.memory_space<vmem>>) target_semaphore(%arg12 : memref<!tpu.dma_semaphore, #tpu.memory_space<semaphore_mem>>)
    %dma_start3A_8 = arith.constant 50048 : i32
    %dma_start3A_9 = tpu.memref_slice %arg4[%add3A_2, %dma_start3A_8] : memref<64x100000xf32, #tpu.memory_space<hbm>> -> memref<1x49952xf32, #tpu.memory_space<hbm>>
    %dma_start3A_10 = tpu.memref_squeeze %dma_start3A_9 : memref<1x49952xf32, #tpu.memory_space<hbm>> -> memref<49952xf32, #tpu.memory_space<hbm>>
    %dma_start3A_11 = arith.constant 50048 : i32
    %dma_start3A_12 = tpu.memref_slice %arg4[%add3A_2, %dma_start3A_11] : memref<64x100000xf32, #tpu.memory_space<hbm>> -> memref<1x49952xf32, #tpu.memory_space<hbm>>
    %dma_start3A_13 = tpu.memref_squeeze %dma_start3A_12 : memref<1x49952xf32, #tpu.memory_space<hbm>> -> memref<49952xf32, #tpu.memory_space<hbm>>
    tpu.enqueue_dma source(%dma_start3A_13 : memref<49952xf32, #tpu.memory_space<hbm>>) target(%arg8 : memref<49952xf32, #tpu.memory_space<vmem>>) target_semaphore(%arg13 : memref<!tpu.dma_semaphore, #tpu.memory_space<semaphore_mem>>)
    %dma_start3A_14 = arith.constant 0 : i32
    %dma_start3A_15 = tpu.memref_slice %arg2[%add3A, %dma_start3A_14] : memref<64x16384xf32, #tpu.memory_space<hbm>> -> memref<1x4096xf32, #tpu.memory_space<hbm>>
    %dma_start3A_16 = tpu.memref_squeeze %dma_start3A_15 : memref<1x4096xf32, #tpu.memory_space<hbm>> -> memref<4096xf32, #tpu.memory_space<hbm>>
    %dma_start3A_17 = arith.constant 0 : i32
    %dma_start3A_18 = tpu.memref_slice %arg2[%add3A, %dma_start3A_17] : memref<64x16384xf32, #tpu.memory_space<hbm>> -> memref<1x4096xf32, #tpu.memory_space<hbm>>
    %dma_start3A_19 = tpu.memref_squeeze %dma_start3A_18 : memref<1x4096xf32, #tpu.memory_space<hbm>> -> memref<4096xf32, #tpu.memory_space<hbm>>
    tpu.enqueue_dma source(%dma_start3A_19 : memref<4096xf32, #tpu.memory_space<hbm>>) target(%arg9 : memref<4096xf32, #tpu.memory_space<vmem>>) target_semaphore(%arg14 : memref<!tpu.dma_semaphore, #tpu.memory_space<semaphore_mem>>)
    "tpu.region"() ({
      %run_scoped3A = tpu.sem_alloc : memref<!tpu.dma_semaphore, #tpu.memory_space<semaphore_mem>>
      tpu.enqueue_dma source(%arg3 : memref<16384xi32, #tpu.memory_space<hbm>>) target(%arg6 : memref<16384xi32, #tpu.memory_space<vmem>>) target_semaphore(%run_scoped3A : memref<!tpu.dma_semaphore, #tpu.memory_space<semaphore_mem>>)
      tpu.wait_dma2 semaphore(%run_scoped3A : memref<!tpu.dma_semaphore, #tpu.memory_space<semaphore_mem>>) src(%arg3 : memref<16384xi32, #tpu.memory_space<hbm>>) dst(%arg6 : memref<16384xi32, #tpu.memory_space<vmem>>)
      tpu.yield
    }) : () -> ()
    %broadcast_in_dim3A = arith.constant 0.000000e+00 : f32
    %broadcast_in_dim3A_20 = vector.broadcast %broadcast_in_dim3A : f32 to vector<16xf32>
    %add3A_21 = arith.constant 0 : i32
    %add3A_22 = arith.addi %add3A, %add3A_21 : i32
    %dma_wait3A = arith.constant 0 : i32
    %dma_wait3A_23 = tpu.memref_slice %arg4[%add3A_2, %dma_wait3A] : memref<64x100000xf32, #tpu.memory_space<hbm>> -> memref<1x50048xf32, #tpu.memory_space<hbm>>
    %dma_wait3A_24 = tpu.memref_squeeze %dma_wait3A_23 : memref<1x50048xf32, #tpu.memory_space<hbm>> -> memref<50048xf32, #tpu.memory_space<hbm>>
    %dma_wait3A_25 = arith.constant 0 : i32
    %dma_wait3A_26 = tpu.memref_slice %arg4[%add3A_2, %dma_wait3A_25] : memref<64x100000xf32, #tpu.memory_space<hbm>> -> memref<1x50048xf32, #tpu.memory_space<hbm>>
    %dma_wait3A_27 = tpu.memref_squeeze %dma_wait3A_26 : memref<1x50048xf32, #tpu.memory_space<hbm>> -> memref<50048xf32, #tpu.memory_space<hbm>>
    tpu.wait_dma2 semaphore(%arg12 : memref<!tpu.dma_semaphore, #tpu.memory_space<semaphore_mem>>) src(%dma_wait3A_27 : memref<50048xf32, #tpu.memory_space<hbm>>) dst(%arg7 : memref<50048xf32, #tpu.memory_space<vmem>>)
    %dma_wait3A_28 = arith.constant 50048 : i32
    %dma_wait3A_29 = tpu.memref_slice %arg4[%add3A_2, %dma_wait3A_28] : memref<64x100000xf32, #tpu.memory_space<hbm>> -> memref<1x49952xf32, #tpu.memory_space<hbm>>
    %dma_wait3A_30 = tpu.memref_squeeze %dma_wait3A_29 : memref<1x49952xf32, #tpu.memory_space<hbm>> -> memref<49952xf32, #tpu.memory_space<hbm>>
    %dma_wait3A_31 = arith.constant 50048 : i32
    %dma_wait3A_32 = tpu.memref_slice %arg4[%add3A_2, %dma_wait3A_31] : memref<64x100000xf32, #tpu.memory_space<hbm>> -> memref<1x49952xf32, #tpu.memory_space<hbm>>
    %dma_wait3A_33 = tpu.memref_squeeze %dma_wait3A_32 : memref<1x49952xf32, #tpu.memory_space<hbm>> -> memref<49952xf32, #tpu.memory_space<hbm>>
    tpu.wait_dma2 semaphore(%arg13 : memref<!tpu.dma_semaphore, #tpu.memory_space<semaphore_mem>>) src(%dma_wait3A_33 : memref<49952xf32, #tpu.memory_space<hbm>>) dst(%arg8 : memref<49952xf32, #tpu.memory_space<vmem>>)
    %dma_wait3A_34 = arith.constant 0 : i32
    %dma_wait3A_35 = tpu.memref_slice %arg2[%add3A, %dma_wait3A_34] : memref<64x16384xf32, #tpu.memory_space<hbm>> -> memref<1x4096xf32, #tpu.memory_space<hbm>>
    %dma_wait3A_36 = tpu.memref_squeeze %dma_wait3A_35 : memref<1x4096xf32, #tpu.memory_space<hbm>> -> memref<4096xf32, #tpu.memory_space<hbm>>
    %dma_wait3A_37 = arith.constant 0 : i32
    %dma_wait3A_38 = tpu.memref_slice %arg2[%add3A, %dma_wait3A_37] : memref<64x16384xf32, #tpu.memory_space<hbm>> -> memref<1x4096xf32, #tpu.memory_space<hbm>>
    %dma_wait3A_39 = tpu.memref_squeeze %dma_wait3A_38 : memref<1x4096xf32, #tpu.memory_space<hbm>> -> memref<4096xf32, #tpu.memory_space<hbm>>
    tpu.wait_dma2 semaphore(%arg14 : memref<!tpu.dma_semaphore, #tpu.memory_space<semaphore_mem>>) src(%dma_wait3A_39 : memref<4096xf32, #tpu.memory_space<hbm>>) dst(%arg9 : memref<4096xf32, #tpu.memory_space<vmem>>)
    %dma_start3A_40 = arith.constant 4096 : i32
    %dma_start3A_41 = tpu.memref_slice %arg2[%add3A_22, %dma_start3A_40] : memref<64x16384xf32, #tpu.memory_space<hbm>> -> memref<1x4096xf32, #tpu.memory_space<hbm>>
    %dma_start3A_42 = tpu.memref_squeeze %dma_start3A_41 : memref<1x4096xf32, #tpu.memory_space<hbm>> -> memref<4096xf32, #tpu.memory_space<hbm>>
    %dma_start3A_43 = arith.constant 4096 : i32
    %dma_start3A_44 = tpu.memref_slice %arg2[%add3A_22, %dma_start3A_43] : memref<64x16384xf32, #tpu.memory_space<hbm>> -> memref<1x4096xf32, #tpu.memory_space<hbm>>
    %dma_start3A_45 = tpu.memref_squeeze %dma_start3A_44 : memref<1x4096xf32, #tpu.memory_space<hbm>> -> memref<4096xf32, #tpu.memory_space<hbm>>
    tpu.enqueue_dma source(%dma_start3A_45 : memref<4096xf32, #tpu.memory_space<hbm>>) target(%arg10 : memref<4096xf32, #tpu.memory_space<vmem>>) target_semaphore(%arg15 : memref<!tpu.dma_semaphore, #tpu.memory_space<semaphore_mem>>)
    %scan3A = arith.constant 0 : i32
    %scan3A_46 = arith.constant 64 : i32
    %scan3A_47 = arith.addi %scan3A, %scan3A_46 : i32
    %scan3A_48 = arith.constant 1 : i32
    %scan3A_49 = scf.for %scan3A_202 = %scan3A to %scan3A_47 step %scan3A_48 iter_args(%scan3A_203 = %broadcast_in_dim3A_20) -> (vector<16xf32>)  : i32 {
      %mul3A_204 = arith.constant 4 : i32
      %mul3A_205 = arith.muli %scan3A_202, %mul3A_204 : i32
      %add3A_206 = arith.constant 0 : i32
      %add3A_207 = arith.addi %mul3A_205, %add3A_206 : i32
      %mul3A_208 = arith.constant 16 : i32
      %mul3A_209 = arith.muli %add3A_207, %mul3A_208 : i32
      %add3A_210 = arith.constant 0 : i32
      %add3A_211 = arith.addi %add3A_210, %mul3A_209 : i32
      %get3A = arith.index_cast %add3A_211 : i32 to index
      %get3A_212 = tpu.vector_load %arg6[%get3A] {strides = array<i32>} : memref<16384xi32, #tpu.memory_space<vmem>>, vector<16xi32>,
      %get3A_213 = arith.index_cast %mul3A_209 : i32 to index
      %get3A_214 = tpu.vector_load %arg9[%get3A_213] {strides = array<i32>} : memref<4096xf32, #tpu.memory_space<vmem>>, vector<16xf32>,
      %lt3A = arith.constant 50048 : i32
      %lt3A_215 = vector.broadcast %lt3A : i32 to vector<16xi32>
      %lt3A_216 = arith.cmpi slt, %get3A_212, %lt3A_215 : vector<16xi32>
      %min3A = arith.constant 50047 : i32
      %min3A_217 = vector.broadcast %min3A : i32 to vector<16xi32>
      %min3A_218 = arith.minsi %get3A_212, %min3A_217 : vector<16xi32>
      %sub3A = arith.constant 50048 : i32
      %sub3A_219 = vector.broadcast %sub3A : i32 to vector<16xi32>
      %sub3A_220 = arith.subi %get3A_212, %sub3A_219 : vector<16xi32>
      %max3A = arith.constant 0 : i32
      %max3A_221 = vector.broadcast %max3A : i32 to vector<16xi32>
      %max3A_222 = arith.maxsi %sub3A_220, %max3A_221 : vector<16xi32>
      %gather3A = tpu.vector_load_idx %arg7[%min3A_218] masked %lt3A_216 : memref<50048xf32, #tpu.memory_space<vmem>>[vector<16xi32>], vector<16xf32>, vector<16xi1>
      %not3A = arith.constant dense<true> : vector<16xi1>
      %not3A_223 = arith.xori %lt3A_216, %not3A : vector<16xi1>
      %gather3A_224 = tpu.vector_load_idx %arg8[%max3A_222] masked %not3A_223 : memref<49952xf32, #tpu.memory_space<vmem>>[vector<16xi32>], vector<16xf32>, vector<16xi1>
      %select_n3A = arith.select %lt3A_216, %gather3A, %gather3A_224 : vector<16xi1>, vector<16xf32>
      %sub3A_225 = arith.subf %get3A_214, %select_n3A : vector<16xf32>
      %mul3A_226 = arith.mulf %sub3A_225, %sub3A_225 : vector<16xf32>
      %add3A_227 = arith.addf %scan3A_203, %mul3A_226 : vector<16xf32>
      %mul3A_228 = arith.constant 4 : i32
      %mul3A_229 = arith.muli %scan3A_202, %mul3A_228 : i32
      %add3A_230 = arith.constant 1 : i32
      %add3A_231 = arith.addi %mul3A_229, %add3A_230 : i32
      %mul3A_232 = arith.constant 16 : i32
      %mul3A_233 = arith.muli %add3A_231, %mul3A_232 : i32
      %add3A_234 = arith.constant 0 : i32
      %add3A_235 = arith.addi %add3A_234, %mul3A_233 : i32
      %get3A_236 = arith.index_cast %add3A_235 : i32 to index
      %get3A_237 = tpu.vector_load %arg6[%get3A_236] {strides = array<i32>} : memref<16384xi32, #tpu.memory_space<vmem>>, vector<16xi32>,
      %get3A_238 = arith.index_cast %mul3A_233 : i32 to index
      %get3A_239 = tpu.vector_load %arg9[%get3A_238] {strides = array<i32>} : memref<4096xf32, #tpu.memory_space<vmem>>, vector<16xf32>,
      %lt3A_240 = arith.constant 50048 : i32
      %lt3A_241 = vector.broadcast %lt3A_240 : i32 to vector<16xi32>
      %lt3A_242 = arith.cmpi slt, %get3A_237, %lt3A_241 : vector<16xi32>
      %min3A_243 = arith.constant 50047 : i32
      %min3A_244 = vector.broadcast %min3A_243 : i32 to vector<16xi32>
      %min3A_245 = arith.minsi %get3A_237, %min3A_244 : vector<16xi32>
      %sub3A_246 = arith.constant 50048 : i32
      %sub3A_247 = vector.broadcast %sub3A_246 : i32 to vector<16xi32>
      %sub3A_248 = arith.subi %get3A_237, %sub3A_247 : vector<16xi32>
      %max3A_249 = arith.constant 0 : i32
      %max3A_250 = vector.broadcast %max3A_249 : i32 to vector<16xi32>
      %max3A_251 = arith.maxsi %sub3A_248, %max3A_250 : vector<16xi32>
      %gather3A_252 = tpu.vector_load_idx %arg7[%min3A_245] masked %lt3A_242 : memref<50048xf32, #tpu.memory_space<vmem>>[vector<16xi32>], vector<16xf32>, vector<16xi1>
      %not3A_253 = arith.constant dense<true> : vector<16xi1>
      %not3A_254 = arith.xori %lt3A_242, %not3A_253 : vector<16xi1>
      %gather3A_255 = tpu.vector_load_idx %arg8[%max3A_251] masked %not3A_254 : memref<49952xf32, #tpu.memory_space<vmem>>[vector<16xi32>], vector<16xf32>, vector<16xi1>
      %select_n3A_256 = arith.select %lt3A_242, %gather3A_252, %gather3A_255 : vector<16xi1>, vector<16xf32>
      %sub3A_257 = arith.subf %get3A_239, %select_n3A_256 : vector<16xf32>
      %mul3A_258 = arith.mulf %sub3A_257, %sub3A_257 : vector<16xf32>
      %add3A_259 = arith.addf %add3A_227, %mul3A_258 : vector<16xf32>
      %mul3A_260 = arith.constant 4 : i32
      %mul3A_261 = arith.muli %scan3A_202, %mul3A_260 : i32
      %add3A_262 = arith.constant 2 : i32
      %add3A_263 = arith.addi %mul3A_261, %add3A_262 : i32
      %mul3A_264 = arith.constant 16 : i32
      %mul3A_265 = arith.muli %add3A_263, %mul3A_264 : i32
      %add3A_266 = arith.constant 0 : i32
      %add3A_267 = arith.addi %add3A_266, %mul3A_265 : i32
      %get3A_268 = arith.index_cast %add3A_267 : i32 to index
      %get3A_269 = tpu.vector_load %arg6[%get3A_268] {strides = array<i32>} : memref<16384xi32, #tpu.memory_space<vmem>>, vector<16xi32>,
      %get3A_270 = arith.index_cast %mul3A_265 : i32 to index
      %get3A_271 = tpu.vector_load %arg9[%get3A_270] {strides = array<i32>} : memref<4096xf32, #tpu.memory_space<vmem>>, vector<16xf32>,
      %lt3A_272 = arith.constant 50048 : i32
      %lt3A_273 = vector.broadcast %lt3A_272 : i32 to vector<16xi32>
      %lt3A_274 = arith.cmpi slt, %get3A_269, %lt3A_273 : vector<16xi32>
      %min3A_275 = arith.constant 50047 : i32
      %min3A_276 = vector.broadcast %min3A_275 : i32 to vector<16xi32>
      %min3A_277 = arith.minsi %get3A_269, %min3A_276 : vector<16xi32>
      %sub3A_278 = arith.constant 50048 : i32
      %sub3A_279 = vector.broadcast %sub3A_278 : i32 to vector<16xi32>
      %sub3A_280 = arith.subi %get3A_269, %sub3A_279 : vector<16xi32>
      %max3A_281 = arith.constant 0 : i32
      %max3A_282 = vector.broadcast %max3A_281 : i32 to vector<16xi32>
      %max3A_283 = arith.maxsi %sub3A_280, %max3A_282 : vector<16xi32>
      %gather3A_284 = tpu.vector_load_idx %arg7[%min3A_277] masked %lt3A_274 : memref<50048xf32, #tpu.memory_space<vmem>>[vector<16xi32>], vector<16xf32>, vector<16xi1>
      %not3A_285 = arith.constant dense<true> : vector<16xi1>
      %not3A_286 = arith.xori %lt3A_274, %not3A_285 : vector<16xi1>
      %gather3A_287 = tpu.vector_load_idx %arg8[%max3A_283] masked %not3A_286 : memref<49952xf32, #tpu.memory_space<vmem>>[vector<16xi32>], vector<16xf32>, vector<16xi1>
      %select_n3A_288 = arith.select %lt3A_274, %gather3A_284, %gather3A_287 : vector<16xi1>, vector<16xf32>
      %sub3A_289 = arith.subf %get3A_271, %select_n3A_288 : vector<16xf32>
      %mul3A_290 = arith.mulf %sub3A_289, %sub3A_289 : vector<16xf32>
      %add3A_291 = arith.addf %add3A_259, %mul3A_290 : vector<16xf32>
      %mul3A_292 = arith.constant 4 : i32
      %mul3A_293 = arith.muli %scan3A_202, %mul3A_292 : i32
      %add3A_294 = arith.constant 3 : i32
      %add3A_295 = arith.addi %mul3A_293, %add3A_294 : i32
      %mul3A_296 = arith.constant 16 : i32
      %mul3A_297 = arith.muli %add3A_295, %mul3A_296 : i32
      %add3A_298 = arith.constant 0 : i32
      %add3A_299 = arith.addi %add3A_298, %mul3A_297 : i32
      %get3A_300 = arith.index_cast %add3A_299 : i32 to index
      %get3A_301 = tpu.vector_load %arg6[%get3A_300] {strides = array<i32>} : memref<16384xi32, #tpu.memory_space<vmem>>, vector<16xi32>,
      %get3A_302 = arith.index_cast %mul3A_297 : i32 to index
      %get3A_303 = tpu.vector_load %arg9[%get3A_302] {strides = array<i32>} : memref<4096xf32, #tpu.memory_space<vmem>>, vector<16xf32>,
      %lt3A_304 = arith.constant 50048 : i32
      %lt3A_305 = vector.broadcast %lt3A_304 : i32 to vector<16xi32>
      %lt3A_306 = arith.cmpi slt, %get3A_301, %lt3A_305 : vector<16xi32>
      %min3A_307 = arith.constant 50047 : i32
      %min3A_308 = vector.broadcast %min3A_307 : i32 to vector<16xi32>
      %min3A_309 = arith.minsi %get3A_301, %min3A_308 : vector<16xi32>
      %sub3A_310 = arith.constant 50048 : i32
      %sub3A_311 = vector.broadcast %sub3A_310 : i32 to vector<16xi32>
      %sub3A_312 = arith.subi %get3A_301, %sub3A_311 : vector<16xi32>
      %max3A_313 = arith.constant 0 : i32
      %max3A_314 = vector.broadcast %max3A_313 : i32 to vector<16xi32>
      %max3A_315 = arith.maxsi %sub3A_312, %max3A_314 : vector<16xi32>
      %gather3A_316 = tpu.vector_load_idx %arg7[%min3A_309] masked %lt3A_306 : memref<50048xf32, #tpu.memory_space<vmem>>[vector<16xi32>], vector<16xf32>, vector<16xi1>
      %not3A_317 = arith.constant dense<true> : vector<16xi1>
      %not3A_318 = arith.xori %lt3A_306, %not3A_317 : vector<16xi1>
      %gather3A_319 = tpu.vector_load_idx %arg8[%max3A_315] masked %not3A_318 : memref<49952xf32, #tpu.memory_space<vmem>>[vector<16xi32>], vector<16xf32>, vector<16xi1>
      %select_n3A_320 = arith.select %lt3A_306, %gather3A_316, %gather3A_319 : vector<16xi1>, vector<16xf32>
      %sub3A_321 = arith.subf %get3A_303, %select_n3A_320 : vector<16xf32>
      %mul3A_322 = arith.mulf %sub3A_321, %sub3A_321 : vector<16xf32>
      %add3A_323 = arith.addf %add3A_291, %mul3A_322 : vector<16xf32>
      scf.yield %add3A_323 : vector<16xf32>
    }
    %scan3A_50 = arith.constant 64 : i32
    %dma_wait3A_51 = arith.constant 4096 : i32
    %dma_wait3A_52 = tpu.memref_slice %arg2[%add3A_22, %dma_wait3A_51] : memref<64x16384xf32, #tpu.memory_space<hbm>> -> memref<1x4096xf32, #tpu.memory_space<hbm>>
    %dma_wait3A_53 = tpu.memref_squeeze %dma_wait3A_52 : memref<1x4096xf32, #tpu.memory_space<hbm>> -> memref<4096xf32, #tpu.memory_space<hbm>>
    %dma_wait3A_54 = arith.constant 4096 : i32
    %dma_wait3A_55 = tpu.memref_slice %arg2[%add3A_22, %dma_wait3A_54] : memref<64x16384xf32, #tpu.memory_space<hbm>> -> memref<1x4096xf32, #tpu.memory_space<hbm>>
    %dma_wait3A_56 = tpu.memref_squeeze %dma_wait3A_55 : memref<1x4096xf32, #tpu.memory_space<hbm>> -> memref<4096xf32, #tpu.memory_space<hbm>>
    tpu.wait_dma2 semaphore(%arg15 : memref<!tpu.dma_semaphore, #tpu.memory_space<semaphore_mem>>) src(%dma_wait3A_56 : memref<4096xf32, #tpu.memory_space<hbm>>) dst(%arg10 : memref<4096xf32, #tpu.memory_space<vmem>>)
    %dma_start3A_57 = arith.constant 8192 : i32
    %dma_start3A_58 = tpu.memref_slice %arg2[%add3A_22, %dma_start3A_57] : memref<64x16384xf32, #tpu.memory_space<hbm>> -> memref<1x4096xf32, #tpu.memory_space<hbm>>
    %dma_start3A_59 = tpu.memref_squeeze %dma_start3A_58 : memref<1x4096xf32, #tpu.memory_space<hbm>> -> memref<4096xf32, #tpu.memory_space<hbm>>
    %dma_start3A_60 = arith.constant 8192 : i32
    %dma_start3A_61 = tpu.memref_slice %arg2[%add3A_22, %dma_start3A_60] : memref<64x16384xf32, #tpu.memory_space<hbm>> -> memref<1x4096xf32, #tpu.memory_space<hbm>>
    %dma_start3A_62 = tpu.memref_squeeze %dma_start3A_61 : memref<1x4096xf32, #tpu.memory_space<hbm>> -> memref<4096xf32, #tpu.memory_space<hbm>>
    tpu.enqueue_dma source(%dma_start3A_62 : memref<4096xf32, #tpu.memory_space<hbm>>) target(%arg9 : memref<4096xf32, #tpu.memory_space<vmem>>) target_semaphore(%arg14 : memref<!tpu.dma_semaphore, #tpu.memory_space<semaphore_mem>>)
    %scan3A_63 = arith.constant 0 : i32
    %scan3A_64 = arith.constant 64 : i32
    %scan3A_65 = arith.addi %scan3A_63, %scan3A_64 : i32
    %scan3A_66 = arith.constant 1 : i32
    %scan3A_67 = scf.for %scan3A_202 = %scan3A_63 to %scan3A_65 step %scan3A_66 iter_args(%scan3A_203 = %scan3A_49) -> (vector<16xf32>)  : i32 {
      %mul3A_204 = arith.constant 4 : i32
      %mul3A_205 = arith.muli %scan3A_202, %mul3A_204 : i32
      %add3A_206 = arith.constant 0 : i32
      %add3A_207 = arith.addi %mul3A_205, %add3A_206 : i32
      %mul3A_208 = arith.constant 16 : i32
      %mul3A_209 = arith.muli %add3A_207, %mul3A_208 : i32
      %add3A_210 = arith.constant 4096 : i32
      %add3A_211 = arith.addi %add3A_210, %mul3A_209 : i32
      %get3A = arith.index_cast %add3A_211 : i32 to index
      %get3A_212 = tpu.vector_load %arg6[%get3A] {strides = array<i32>} : memref<16384xi32, #tpu.memory_space<vmem>>, vector<16xi32>,
      %get3A_213 = arith.index_cast %mul3A_209 : i32 to index
      %get3A_214 = tpu.vector_load %arg10[%get3A_213] {strides = array<i32>} : memref<4096xf32, #tpu.memory_space<vmem>>, vector<16xf32>,
      %lt3A = arith.constant 50048 : i32
      %lt3A_215 = vector.broadcast %lt3A : i32 to vector<16xi32>
      %lt3A_216 = arith.cmpi slt, %get3A_212, %lt3A_215 : vector<16xi32>
      %min3A = arith.constant 50047 : i32
      %min3A_217 = vector.broadcast %min3A : i32 to vector<16xi32>
      %min3A_218 = arith.minsi %get3A_212, %min3A_217 : vector<16xi32>
      %sub3A = arith.constant 50048 : i32
      %sub3A_219 = vector.broadcast %sub3A : i32 to vector<16xi32>
      %sub3A_220 = arith.subi %get3A_212, %sub3A_219 : vector<16xi32>
      %max3A = arith.constant 0 : i32
      %max3A_221 = vector.broadcast %max3A : i32 to vector<16xi32>
      %max3A_222 = arith.maxsi %sub3A_220, %max3A_221 : vector<16xi32>
      %gather3A = tpu.vector_load_idx %arg7[%min3A_218] masked %lt3A_216 : memref<50048xf32, #tpu.memory_space<vmem>>[vector<16xi32>], vector<16xf32>, vector<16xi1>
      %not3A = arith.constant dense<true> : vector<16xi1>
      %not3A_223 = arith.xori %lt3A_216, %not3A : vector<16xi1>
      %gather3A_224 = tpu.vector_load_idx %arg8[%max3A_222] masked %not3A_223 : memref<49952xf32, #tpu.memory_space<vmem>>[vector<16xi32>], vector<16xf32>, vector<16xi1>
      %select_n3A = arith.select %lt3A_216, %gather3A, %gather3A_224 : vector<16xi1>, vector<16xf32>
      %sub3A_225 = arith.subf %get3A_214, %select_n3A : vector<16xf32>
      %mul3A_226 = arith.mulf %sub3A_225, %sub3A_225 : vector<16xf32>
      %add3A_227 = arith.addf %scan3A_203, %mul3A_226 : vector<16xf32>
      %mul3A_228 = arith.constant 4 : i32
      %mul3A_229 = arith.muli %scan3A_202, %mul3A_228 : i32
      %add3A_230 = arith.constant 1 : i32
      %add3A_231 = arith.addi %mul3A_229, %add3A_230 : i32
      %mul3A_232 = arith.constant 16 : i32
      %mul3A_233 = arith.muli %add3A_231, %mul3A_232 : i32
      %add3A_234 = arith.constant 4096 : i32
      %add3A_235 = arith.addi %add3A_234, %mul3A_233 : i32
      %get3A_236 = arith.index_cast %add3A_235 : i32 to index
      %get3A_237 = tpu.vector_load %arg6[%get3A_236] {strides = array<i32>} : memref<16384xi32, #tpu.memory_space<vmem>>, vector<16xi32>,
      %get3A_238 = arith.index_cast %mul3A_233 : i32 to index
      %get3A_239 = tpu.vector_load %arg10[%get3A_238] {strides = array<i32>} : memref<4096xf32, #tpu.memory_space<vmem>>, vector<16xf32>,
      %lt3A_240 = arith.constant 50048 : i32
      %lt3A_241 = vector.broadcast %lt3A_240 : i32 to vector<16xi32>
      %lt3A_242 = arith.cmpi slt, %get3A_237, %lt3A_241 : vector<16xi32>
      %min3A_243 = arith.constant 50047 : i32
      %min3A_244 = vector.broadcast %min3A_243 : i32 to vector<16xi32>
      %min3A_245 = arith.minsi %get3A_237, %min3A_244 : vector<16xi32>
      %sub3A_246 = arith.constant 50048 : i32
      %sub3A_247 = vector.broadcast %sub3A_246 : i32 to vector<16xi32>
      %sub3A_248 = arith.subi %get3A_237, %sub3A_247 : vector<16xi32>
      %max3A_249 = arith.constant 0 : i32
      %max3A_250 = vector.broadcast %max3A_249 : i32 to vector<16xi32>
      %max3A_251 = arith.maxsi %sub3A_248, %max3A_250 : vector<16xi32>
      %gather3A_252 = tpu.vector_load_idx %arg7[%min3A_245] masked %lt3A_242 : memref<50048xf32, #tpu.memory_space<vmem>>[vector<16xi32>], vector<16xf32>, vector<16xi1>
      %not3A_253 = arith.constant dense<true> : vector<16xi1>
      %not3A_254 = arith.xori %lt3A_242, %not3A_253 : vector<16xi1>
      %gather3A_255 = tpu.vector_load_idx %arg8[%max3A_251] masked %not3A_254 : memref<49952xf32, #tpu.memory_space<vmem>>[vector<16xi32>], vector<16xf32>, vector<16xi1>
      %select_n3A_256 = arith.select %lt3A_242, %gather3A_252, %gather3A_255 : vector<16xi1>, vector<16xf32>
      %sub3A_257 = arith.subf %get3A_239, %select_n3A_256 : vector<16xf32>
      %mul3A_258 = arith.mulf %sub3A_257, %sub3A_257 : vector<16xf32>
      %add3A_259 = arith.addf %add3A_227, %mul3A_258 : vector<16xf32>
      %mul3A_260 = arith.constant 4 : i32
      %mul3A_261 = arith.muli %scan3A_202, %mul3A_260 : i32
      %add3A_262 = arith.constant 2 : i32
      %add3A_263 = arith.addi %mul3A_261, %add3A_262 : i32
      %mul3A_264 = arith.constant 16 : i32
      %mul3A_265 = arith.muli %add3A_263, %mul3A_264 : i32
      %add3A_266 = arith.constant 4096 : i32
      %add3A_267 = arith.addi %add3A_266, %mul3A_265 : i32
      %get3A_268 = arith.index_cast %add3A_267 : i32 to index
      %get3A_269 = tpu.vector_load %arg6[%get3A_268] {strides = array<i32>} : memref<16384xi32, #tpu.memory_space<vmem>>, vector<16xi32>,
      %get3A_270 = arith.index_cast %mul3A_265 : i32 to index
      %get3A_271 = tpu.vector_load %arg10[%get3A_270] {strides = array<i32>} : memref<4096xf32, #tpu.memory_space<vmem>>, vector<16xf32>,
      %lt3A_272 = arith.constant 50048 : i32
      %lt3A_273 = vector.broadcast %lt3A_272 : i32 to vector<16xi32>
      %lt3A_274 = arith.cmpi slt, %get3A_269, %lt3A_273 : vector<16xi32>
      %min3A_275 = arith.constant 50047 : i32
      %min3A_276 = vector.broadcast %min3A_275 : i32 to vector<16xi32>
      %min3A_277 = arith.minsi %get3A_269, %min3A_276 : vector<16xi32>
      %sub3A_278 = arith.constant 50048 : i32
      %sub3A_279 = vector.broadcast %sub3A_278 : i32 to vector<16xi32>
      %sub3A_280 = arith.subi %get3A_269, %sub3A_279 : vector<16xi32>
      %max3A_281 = arith.constant 0 : i32
      %max3A_282 = vector.broadcast %max3A_281 : i32 to vector<16xi32>
      %max3A_283 = arith.maxsi %sub3A_280, %max3A_282 : vector<16xi32>
      %gather3A_284 = tpu.vector_load_idx %arg7[%min3A_277] masked %lt3A_274 : memref<50048xf32, #tpu.memory_space<vmem>>[vector<16xi32>], vector<16xf32>, vector<16xi1>
      %not3A_285 = arith.constant dense<true> : vector<16xi1>
      %not3A_286 = arith.xori %lt3A_274, %not3A_285 : vector<16xi1>
      %gather3A_287 = tpu.vector_load_idx %arg8[%max3A_283] masked %not3A_286 : memref<49952xf32, #tpu.memory_space<vmem>>[vector<16xi32>], vector<16xf32>, vector<16xi1>
      %select_n3A_288 = arith.select %lt3A_274, %gather3A_284, %gather3A_287 : vector<16xi1>, vector<16xf32>
      %sub3A_289 = arith.subf %get3A_271, %select_n3A_288 : vector<16xf32>
      %mul3A_290 = arith.mulf %sub3A_289, %sub3A_289 : vector<16xf32>
      %add3A_291 = arith.addf %add3A_259, %mul3A_290 : vector<16xf32>
      %mul3A_292 = arith.constant 4 : i32
      %mul3A_293 = arith.muli %scan3A_202, %mul3A_292 : i32
      %add3A_294 = arith.constant 3 : i32
      %add3A_295 = arith.addi %mul3A_293, %add3A_294 : i32
      %mul3A_296 = arith.constant 16 : i32
      %mul3A_297 = arith.muli %add3A_295, %mul3A_296 : i32
      %add3A_298 = arith.constant 4096 : i32
      %add3A_299 = arith.addi %add3A_298, %mul3A_297 : i32
      %get3A_300 = arith.index_cast %add3A_299 : i32 to index
      %get3A_301 = tpu.vector_load %arg6[%get3A_300] {strides = array<i32>} : memref<16384xi32, #tpu.memory_space<vmem>>, vector<16xi32>,
      %get3A_302 = arith.index_cast %mul3A_297 : i32 to index
      %get3A_303 = tpu.vector_load %arg10[%get3A_302] {strides = array<i32>} : memref<4096xf32, #tpu.memory_space<vmem>>, vector<16xf32>,
      %lt3A_304 = arith.constant 50048 : i32
      %lt3A_305 = vector.broadcast %lt3A_304 : i32 to vector<16xi32>
      %lt3A_306 = arith.cmpi slt, %get3A_301, %lt3A_305 : vector<16xi32>
      %min3A_307 = arith.constant 50047 : i32
      %min3A_308 = vector.broadcast %min3A_307 : i32 to vector<16xi32>
      %min3A_309 = arith.minsi %get3A_301, %min3A_308 : vector<16xi32>
      %sub3A_310 = arith.constant 50048 : i32
      %sub3A_311 = vector.broadcast %sub3A_310 : i32 to vector<16xi32>
      %sub3A_312 = arith.subi %get3A_301, %sub3A_311 : vector<16xi32>
      %max3A_313 = arith.constant 0 : i32
      %max3A_314 = vector.broadcast %max3A_313 : i32 to vector<16xi32>
      %max3A_315 = arith.maxsi %sub3A_312, %max3A_314 : vector<16xi32>
      %gather3A_316 = tpu.vector_load_idx %arg7[%min3A_309] masked %lt3A_306 : memref<50048xf32, #tpu.memory_space<vmem>>[vector<16xi32>], vector<16xf32>, vector<16xi1>
      %not3A_317 = arith.constant dense<true> : vector<16xi1>
      %not3A_318 = arith.xori %lt3A_306, %not3A_317 : vector<16xi1>
      %gather3A_319 = tpu.vector_load_idx %arg8[%max3A_315] masked %not3A_318 : memref<49952xf32, #tpu.memory_space<vmem>>[vector<16xi32>], vector<16xf32>, vector<16xi1>
      %select_n3A_320 = arith.select %lt3A_306, %gather3A_316, %gather3A_319 : vector<16xi1>, vector<16xf32>
      %sub3A_321 = arith.subf %get3A_303, %select_n3A_320 : vector<16xf32>
      %mul3A_322 = arith.mulf %sub3A_321, %sub3A_321 : vector<16xf32>
      %add3A_323 = arith.addf %add3A_291, %mul3A_322 : vector<16xf32>
      scf.yield %add3A_323 : vector<16xf32>
    }
    %scan3A_68 = arith.constant 64 : i32
    %dma_wait3A_69 = arith.constant 8192 : i32
    %dma_wait3A_70 = tpu.memref_slice %arg2[%add3A_22, %dma_wait3A_69] : memref<64x16384xf32, #tpu.memory_space<hbm>> -> memref<1x4096xf32, #tpu.memory_space<hbm>>
    %dma_wait3A_71 = tpu.memref_squeeze %dma_wait3A_70 : memref<1x4096xf32, #tpu.memory_space<hbm>> -> memref<4096xf32, #tpu.memory_space<hbm>>
    %dma_wait3A_72 = arith.constant 8192 : i32
    %dma_wait3A_73 = tpu.memref_slice %arg2[%add3A_22, %dma_wait3A_72] : memref<64x16384xf32, #tpu.memory_space<hbm>> -> memref<1x4096xf32, #tpu.memory_space<hbm>>
    %dma_wait3A_74 = tpu.memref_squeeze %dma_wait3A_73 : memref<1x4096xf32, #tpu.memory_space<hbm>> -> memref<4096xf32, #tpu.memory_space<hbm>>
    tpu.wait_dma2 semaphore(%arg14 : memref<!tpu.dma_semaphore, #tpu.memory_space<semaphore_mem>>) src(%dma_wait3A_74 : memref<4096xf32, #tpu.memory_space<hbm>>) dst(%arg9 : memref<4096xf32, #tpu.memory_space<vmem>>)
    %dma_start3A_75 = arith.constant 12288 : i32
    %dma_start3A_76 = tpu.memref_slice %arg2[%add3A_22, %dma_start3A_75] : memref<64x16384xf32, #tpu.memory_space<hbm>> -> memref<1x4096xf32, #tpu.memory_space<hbm>>
    %dma_start3A_77 = tpu.memref_squeeze %dma_start3A_76 : memref<1x4096xf32, #tpu.memory_space<hbm>> -> memref<4096xf32, #tpu.memory_space<hbm>>
    %dma_start3A_78 = arith.constant 12288 : i32
    %dma_start3A_79 = tpu.memref_slice %arg2[%add3A_22, %dma_start3A_78] : memref<64x16384xf32, #tpu.memory_space<hbm>> -> memref<1x4096xf32, #tpu.memory_space<hbm>>
    %dma_start3A_80 = tpu.memref_squeeze %dma_start3A_79 : memref<1x4096xf32, #tpu.memory_space<hbm>> -> memref<4096xf32, #tpu.memory_space<hbm>>
    tpu.enqueue_dma source(%dma_start3A_80 : memref<4096xf32, #tpu.memory_space<hbm>>) target(%arg10 : memref<4096xf32, #tpu.memory_space<vmem>>) target_semaphore(%arg15 : memref<!tpu.dma_semaphore, #tpu.memory_space<semaphore_mem>>)
    %scan3A_81 = arith.constant 0 : i32
    %scan3A_82 = arith.constant 64 : i32
    %scan3A_83 = arith.addi %scan3A_81, %scan3A_82 : i32
    %scan3A_84 = arith.constant 1 : i32
    %scan3A_85 = scf.for %scan3A_202 = %scan3A_81 to %scan3A_83 step %scan3A_84 iter_args(%scan3A_203 = %scan3A_67) -> (vector<16xf32>)  : i32 {
      %mul3A_204 = arith.constant 4 : i32
      %mul3A_205 = arith.muli %scan3A_202, %mul3A_204 : i32
      %add3A_206 = arith.constant 0 : i32
      %add3A_207 = arith.addi %mul3A_205, %add3A_206 : i32
      %mul3A_208 = arith.constant 16 : i32
      %mul3A_209 = arith.muli %add3A_207, %mul3A_208 : i32
      %add3A_210 = arith.constant 8192 : i32
      %add3A_211 = arith.addi %add3A_210, %mul3A_209 : i32
      %get3A = arith.index_cast %add3A_211 : i32 to index
      %get3A_212 = tpu.vector_load %arg6[%get3A] {strides = array<i32>} : memref<16384xi32, #tpu.memory_space<vmem>>, vector<16xi32>,
      %get3A_213 = arith.index_cast %mul3A_209 : i32 to index
      %get3A_214 = tpu.vector_load %arg9[%get3A_213] {strides = array<i32>} : memref<4096xf32, #tpu.memory_space<vmem>>, vector<16xf32>,
      %lt3A = arith.constant 50048 : i32
      %lt3A_215 = vector.broadcast %lt3A : i32 to vector<16xi32>
      %lt3A_216 = arith.cmpi slt, %get3A_212, %lt3A_215 : vector<16xi32>
      %min3A = arith.constant 50047 : i32
      %min3A_217 = vector.broadcast %min3A : i32 to vector<16xi32>
      %min3A_218 = arith.minsi %get3A_212, %min3A_217 : vector<16xi32>
      %sub3A = arith.constant 50048 : i32
      %sub3A_219 = vector.broadcast %sub3A : i32 to vector<16xi32>
      %sub3A_220 = arith.subi %get3A_212, %sub3A_219 : vector<16xi32>
      %max3A = arith.constant 0 : i32
      %max3A_221 = vector.broadcast %max3A : i32 to vector<16xi32>
      %max3A_222 = arith.maxsi %sub3A_220, %max3A_221 : vector<16xi32>
      %gather3A = tpu.vector_load_idx %arg7[%min3A_218] masked %lt3A_216 : memref<50048xf32, #tpu.memory_space<vmem>>[vector<16xi32>], vector<16xf32>, vector<16xi1>
      %not3A = arith.constant dense<true> : vector<16xi1>
      %not3A_223 = arith.xori %lt3A_216, %not3A : vector<16xi1>
      %gather3A_224 = tpu.vector_load_idx %arg8[%max3A_222] masked %not3A_223 : memref<49952xf32, #tpu.memory_space<vmem>>[vector<16xi32>], vector<16xf32>, vector<16xi1>
      %select_n3A = arith.select %lt3A_216, %gather3A, %gather3A_224 : vector<16xi1>, vector<16xf32>
      %sub3A_225 = arith.subf %get3A_214, %select_n3A : vector<16xf32>
      %mul3A_226 = arith.mulf %sub3A_225, %sub3A_225 : vector<16xf32>
      %add3A_227 = arith.addf %scan3A_203, %mul3A_226 : vector<16xf32>
      %mul3A_228 = arith.constant 4 : i32
      %mul3A_229 = arith.muli %scan3A_202, %mul3A_228 : i32
      %add3A_230 = arith.constant 1 : i32
      %add3A_231 = arith.addi %mul3A_229, %add3A_230 : i32
      %mul3A_232 = arith.constant 16 : i32
      %mul3A_233 = arith.muli %add3A_231, %mul3A_232 : i32
      %add3A_234 = arith.constant 8192 : i32
      %add3A_235 = arith.addi %add3A_234, %mul3A_233 : i32
      %get3A_236 = arith.index_cast %add3A_235 : i32 to index
      %get3A_237 = tpu.vector_load %arg6[%get3A_236] {strides = array<i32>} : memref<16384xi32, #tpu.memory_space<vmem>>, vector<16xi32>,
      %get3A_238 = arith.index_cast %mul3A_233 : i32 to index
      %get3A_239 = tpu.vector_load %arg9[%get3A_238] {strides = array<i32>} : memref<4096xf32, #tpu.memory_space<vmem>>, vector<16xf32>,
      %lt3A_240 = arith.constant 50048 : i32
      %lt3A_241 = vector.broadcast %lt3A_240 : i32 to vector<16xi32>
      %lt3A_242 = arith.cmpi slt, %get3A_237, %lt3A_241 : vector<16xi32>
      %min3A_243 = arith.constant 50047 : i32
      %min3A_244 = vector.broadcast %min3A_243 : i32 to vector<16xi32>
      %min3A_245 = arith.minsi %get3A_237, %min3A_244 : vector<16xi32>
      %sub3A_246 = arith.constant 50048 : i32
      %sub3A_247 = vector.broadcast %sub3A_246 : i32 to vector<16xi32>
      %sub3A_248 = arith.subi %get3A_237, %sub3A_247 : vector<16xi32>
      %max3A_249 = arith.constant 0 : i32
      %max3A_250 = vector.broadcast %max3A_249 : i32 to vector<16xi32>
      %max3A_251 = arith.maxsi %sub3A_248, %max3A_250 : vector<16xi32>
      %gather3A_252 = tpu.vector_load_idx %arg7[%min3A_245] masked %lt3A_242 : memref<50048xf32, #tpu.memory_space<vmem>>[vector<16xi32>], vector<16xf32>, vector<16xi1>
      %not3A_253 = arith.constant dense<true> : vector<16xi1>
      %not3A_254 = arith.xori %lt3A_242, %not3A_253 : vector<16xi1>
      %gather3A_255 = tpu.vector_load_idx %arg8[%max3A_251] masked %not3A_254 : memref<49952xf32, #tpu.memory_space<vmem>>[vector<16xi32>], vector<16xf32>, vector<16xi1>
      %select_n3A_256 = arith.select %lt3A_242, %gather3A_252, %gather3A_255 : vector<16xi1>, vector<16xf32>
      %sub3A_257 = arith.subf %get3A_239, %select_n3A_256 : vector<16xf32>
      %mul3A_258 = arith.mulf %sub3A_257, %sub3A_257 : vector<16xf32>
      %add3A_259 = arith.addf %add3A_227, %mul3A_258 : vector<16xf32>
      %mul3A_260 = arith.constant 4 : i32
      %mul3A_261 = arith.muli %scan3A_202, %mul3A_260 : i32
      %add3A_262 = arith.constant 2 : i32
      %add3A_263 = arith.addi %mul3A_261, %add3A_262 : i32
      %mul3A_264 = arith.constant 16 : i32
      %mul3A_265 = arith.muli %add3A_263, %mul3A_264 : i32
      %add3A_266 = arith.constant 8192 : i32
      %add3A_267 = arith.addi %add3A_266, %mul3A_265 : i32
      %get3A_268 = arith.index_cast %add3A_267 : i32 to index
      %get3A_269 = tpu.vector_load %arg6[%get3A_268] {strides = array<i32>} : memref<16384xi32, #tpu.memory_space<vmem>>, vector<16xi32>,
      %get3A_270 = arith.index_cast %mul3A_265 : i32 to index
      %get3A_271 = tpu.vector_load %arg9[%get3A_270] {strides = array<i32>} : memref<4096xf32, #tpu.memory_space<vmem>>, vector<16xf32>,
      %lt3A_272 = arith.constant 50048 : i32
      %lt3A_273 = vector.broadcast %lt3A_272 : i32 to vector<16xi32>
      %lt3A_274 = arith.cmpi slt, %get3A_269, %lt3A_273 : vector<16xi32>
      %min3A_275 = arith.constant 50047 : i32
      %min3A_276 = vector.broadcast %min3A_275 : i32 to vector<16xi32>
      %min3A_277 = arith.minsi %get3A_269, %min3A_276 : vector<16xi32>
      %sub3A_278 = arith.constant 50048 : i32
      %sub3A_279 = vector.broadcast %sub3A_278 : i32 to vector<16xi32>
      %sub3A_280 = arith.subi %get3A_269, %sub3A_279 : vector<16xi32>
      %max3A_281 = arith.constant 0 : i32
      %max3A_282 = vector.broadcast %max3A_281 : i32 to vector<16xi32>
      %max3A_283 = arith.maxsi %sub3A_280, %max3A_282 : vector<16xi32>
      %gather3A_284 = tpu.vector_load_idx %arg7[%min3A_277] masked %lt3A_274 : memref<50048xf32, #tpu.memory_space<vmem>>[vector<16xi32>], vector<16xf32>, vector<16xi1>
      %not3A_285 = arith.constant dense<true> : vector<16xi1>
      %not3A_286 = arith.xori %lt3A_274, %not3A_285 : vector<16xi1>
      %gather3A_287 = tpu.vector_load_idx %arg8[%max3A_283] masked %not3A_286 : memref<49952xf32, #tpu.memory_space<vmem>>[vector<16xi32>], vector<16xf32>, vector<16xi1>
      %select_n3A_288 = arith.select %lt3A_274, %gather3A_284, %gather3A_287 : vector<16xi1>, vector<16xf32>
      %sub3A_289 = arith.subf %get3A_271, %select_n3A_288 : vector<16xf32>
      %mul3A_290 = arith.mulf %sub3A_289, %sub3A_289 : vector<16xf32>
      %add3A_291 = arith.addf %add3A_259, %mul3A_290 : vector<16xf32>
      %mul3A_292 = arith.constant 4 : i32
      %mul3A_293 = arith.muli %scan3A_202, %mul3A_292 : i32
      %add3A_294 = arith.constant 3 : i32
      %add3A_295 = arith.addi %mul3A_293, %add3A_294 : i32
      %mul3A_296 = arith.constant 16 : i32
      %mul3A_297 = arith.muli %add3A_295, %mul3A_296 : i32
      %add3A_298 = arith.constant 8192 : i32
      %add3A_299 = arith.addi %add3A_298, %mul3A_297 : i32
      %get3A_300 = arith.index_cast %add3A_299 : i32 to index
      %get3A_301 = tpu.vector_load %arg6[%get3A_300] {strides = array<i32>} : memref<16384xi32, #tpu.memory_space<vmem>>, vector<16xi32>,
      %get3A_302 = arith.index_cast %mul3A_297 : i32 to index
      %get3A_303 = tpu.vector_load %arg9[%get3A_302] {strides = array<i32>} : memref<4096xf32, #tpu.memory_space<vmem>>, vector<16xf32>,
      %lt3A_304 = arith.constant 50048 : i32
      %lt3A_305 = vector.broadcast %lt3A_304 : i32 to vector<16xi32>
      %lt3A_306 = arith.cmpi slt, %get3A_301, %lt3A_305 : vector<16xi32>
      %min3A_307 = arith.constant 50047 : i32
      %min3A_308 = vector.broadcast %min3A_307 : i32 to vector<16xi32>
      %min3A_309 = arith.minsi %get3A_301, %min3A_308 : vector<16xi32>
      %sub3A_310 = arith.constant 50048 : i32
      %sub3A_311 = vector.broadcast %sub3A_310 : i32 to vector<16xi32>
      %sub3A_312 = arith.subi %get3A_301, %sub3A_311 : vector<16xi32>
      %max3A_313 = arith.constant 0 : i32
      %max3A_314 = vector.broadcast %max3A_313 : i32 to vector<16xi32>
      %max3A_315 = arith.maxsi %sub3A_312, %max3A_314 : vector<16xi32>
      %gather3A_316 = tpu.vector_load_idx %arg7[%min3A_309] masked %lt3A_306 : memref<50048xf32, #tpu.memory_space<vmem>>[vector<16xi32>], vector<16xf32>, vector<16xi1>
      %not3A_317 = arith.constant dense<true> : vector<16xi1>
      %not3A_318 = arith.xori %lt3A_306, %not3A_317 : vector<16xi1>
      %gather3A_319 = tpu.vector_load_idx %arg8[%max3A_315] masked %not3A_318 : memref<49952xf32, #tpu.memory_space<vmem>>[vector<16xi32>], vector<16xf32>, vector<16xi1>
      %select_n3A_320 = arith.select %lt3A_306, %gather3A_316, %gather3A_319 : vector<16xi1>, vector<16xf32>
      %sub3A_321 = arith.subf %get3A_303, %select_n3A_320 : vector<16xf32>
      %mul3A_322 = arith.mulf %sub3A_321, %sub3A_321 : vector<16xf32>
      %add3A_323 = arith.addf %add3A_291, %mul3A_322 : vector<16xf32>
      scf.yield %add3A_323 : vector<16xf32>
    }
    %scan3A_86 = arith.constant 64 : i32
    %dma_wait3A_87 = arith.constant 12288 : i32
    %dma_wait3A_88 = tpu.memref_slice %arg2[%add3A_22, %dma_wait3A_87] : memref<64x16384xf32, #tpu.memory_space<hbm>> -> memref<1x4096xf32, #tpu.memory_space<hbm>>
    %dma_wait3A_89 = tpu.memref_squeeze %dma_wait3A_88 : memref<1x4096xf32, #tpu.memory_space<hbm>> -> memref<4096xf32, #tpu.memory_space<hbm>>
    %dma_wait3A_90 = arith.constant 12288 : i32
    %dma_wait3A_91 = tpu.memref_slice %arg2[%add3A_22, %dma_wait3A_90] : memref<64x16384xf32, #tpu.memory_space<hbm>> -> memref<1x4096xf32, #tpu.memory_space<hbm>>
    %dma_wait3A_92 = tpu.memref_squeeze %dma_wait3A_91 : memref<1x4096xf32, #tpu.memory_space<hbm>> -> memref<4096xf32, #tpu.memory_space<hbm>>
    tpu.wait_dma2 semaphore(%arg15 : memref<!tpu.dma_semaphore, #tpu.memory_space<semaphore_mem>>) src(%dma_wait3A_92 : memref<4096xf32, #tpu.memory_space<hbm>>) dst(%arg10 : memref<4096xf32, #tpu.memory_space<vmem>>)
    %scan3A_93 = arith.constant 0 : i32
    %scan3A_94 = arith.constant 64 : i32
    %scan3A_95 = arith.addi %scan3A_93, %scan3A_94 : i32
    %scan3A_96 = arith.constant 1 : i32
    %scan3A_97 = scf.for %scan3A_202 = %scan3A_93 to %scan3A_95 step %scan3A_96 iter_args(%scan3A_203 = %scan3A_85) -> (vector<16xf32>)  : i32 {
      %mul3A_204 = arith.constant 4 : i32
      %mul3A_205 = arith.muli %scan3A_202, %mul3A_204 : i32
      %add3A_206 = arith.constant 0 : i32
      %add3A_207 = arith.addi %mul3A_205, %add3A_206 : i32
      %mul3A_208 = arith.constant 16 : i32
      %mul3A_209 = arith.muli %add3A_207, %mul3A_208 : i32
      %add3A_210 = arith.constant 12288 : i32
      %add3A_211 = arith.addi %add3A_210, %mul3A_209 : i32
      %get3A = arith.index_cast %add3A_211 : i32 to index
      %get3A_212 = tpu.vector_load %arg6[%get3A] {strides = array<i32>} : memref<16384xi32, #tpu.memory_space<vmem>>, vector<16xi32>,
      %get3A_213 = arith.index_cast %mul3A_209 : i32 to index
      %get3A_214 = tpu.vector_load %arg10[%get3A_213] {strides = array<i32>} : memref<4096xf32, #tpu.memory_space<vmem>>, vector<16xf32>,
      %lt3A = arith.constant 50048 : i32
      %lt3A_215 = vector.broadcast %lt3A : i32 to vector<16xi32>
      %lt3A_216 = arith.cmpi slt, %get3A_212, %lt3A_215 : vector<16xi32>
      %min3A = arith.constant 50047 : i32
      %min3A_217 = vector.broadcast %min3A : i32 to vector<16xi32>
      %min3A_218 = arith.minsi %get3A_212, %min3A_217 : vector<16xi32>
      %sub3A = arith.constant 50048 : i32
      %sub3A_219 = vector.broadcast %sub3A : i32 to vector<16xi32>
      %sub3A_220 = arith.subi %get3A_212, %sub3A_219 : vector<16xi32>
      %max3A = arith.constant 0 : i32
      %max3A_221 = vector.broadcast %max3A : i32 to vector<16xi32>
      %max3A_222 = arith.maxsi %sub3A_220, %max3A_221 : vector<16xi32>
      %gather3A = tpu.vector_load_idx %arg7[%min3A_218] masked %lt3A_216 : memref<50048xf32, #tpu.memory_space<vmem>>[vector<16xi32>], vector<16xf32>, vector<16xi1>
      %not3A = arith.constant dense<true> : vector<16xi1>
      %not3A_223 = arith.xori %lt3A_216, %not3A : vector<16xi1>
      %gather3A_224 = tpu.vector_load_idx %arg8[%max3A_222] masked %not3A_223 : memref<49952xf32, #tpu.memory_space<vmem>>[vector<16xi32>], vector<16xf32>, vector<16xi1>
      %select_n3A = arith.select %lt3A_216, %gather3A, %gather3A_224 : vector<16xi1>, vector<16xf32>
      %sub3A_225 = arith.subf %get3A_214, %select_n3A : vector<16xf32>
      %mul3A_226 = arith.mulf %sub3A_225, %sub3A_225 : vector<16xf32>
      %add3A_227 = arith.addf %scan3A_203, %mul3A_226 : vector<16xf32>
      %mul3A_228 = arith.constant 4 : i32
      %mul3A_229 = arith.muli %scan3A_202, %mul3A_228 : i32
      %add3A_230 = arith.constant 1 : i32
      %add3A_231 = arith.addi %mul3A_229, %add3A_230 : i32
      %mul3A_232 = arith.constant 16 : i32
      %mul3A_233 = arith.muli %add3A_231, %mul3A_232 : i32
      %add3A_234 = arith.constant 12288 : i32
      %add3A_235 = arith.addi %add3A_234, %mul3A_233 : i32
      %get3A_236 = arith.index_cast %add3A_235 : i32 to index
      %get3A_237 = tpu.vector_load %arg6[%get3A_236] {strides = array<i32>} : memref<16384xi32, #tpu.memory_space<vmem>>, vector<16xi32>,
      %get3A_238 = arith.index_cast %mul3A_233 : i32 to index
      %get3A_239 = tpu.vector_load %arg10[%get3A_238] {strides = array<i32>} : memref<4096xf32, #tpu.memory_space<vmem>>, vector<16xf32>,
      %lt3A_240 = arith.constant 50048 : i32
      %lt3A_241 = vector.broadcast %lt3A_240 : i32 to vector<16xi32>
      %lt3A_242 = arith.cmpi slt, %get3A_237, %lt3A_241 : vector<16xi32>
      %min3A_243 = arith.constant 50047 : i32
      %min3A_244 = vector.broadcast %min3A_243 : i32 to vector<16xi32>
      %min3A_245 = arith.minsi %get3A_237, %min3A_244 : vector<16xi32>
      %sub3A_246 = arith.constant 50048 : i32
      %sub3A_247 = vector.broadcast %sub3A_246 : i32 to vector<16xi32>
      %sub3A_248 = arith.subi %get3A_237, %sub3A_247 : vector<16xi32>
      %max3A_249 = arith.constant 0 : i32
      %max3A_250 = vector.broadcast %max3A_249 : i32 to vector<16xi32>
      %max3A_251 = arith.maxsi %sub3A_248, %max3A_250 : vector<16xi32>
      %gather3A_252 = tpu.vector_load_idx %arg7[%min3A_245] masked %lt3A_242 : memref<50048xf32, #tpu.memory_space<vmem>>[vector<16xi32>], vector<16xf32>, vector<16xi1>
      %not3A_253 = arith.constant dense<true> : vector<16xi1>
      %not3A_254 = arith.xori %lt3A_242, %not3A_253 : vector<16xi1>
      %gather3A_255 = tpu.vector_load_idx %arg8[%max3A_251] masked %not3A_254 : memref<49952xf32, #tpu.memory_space<vmem>>[vector<16xi32>], vector<16xf32>, vector<16xi1>
      %select_n3A_256 = arith.select %lt3A_242, %gather3A_252, %gather3A_255 : vector<16xi1>, vector<16xf32>
      %sub3A_257 = arith.subf %get3A_239, %select_n3A_256 : vector<16xf32>
      %mul3A_258 = arith.mulf %sub3A_257, %sub3A_257 : vector<16xf32>
      %add3A_259 = arith.addf %add3A_227, %mul3A_258 : vector<16xf32>
      %mul3A_260 = arith.constant 4 : i32
      %mul3A_261 = arith.muli %scan3A_202, %mul3A_260 : i32
      %add3A_262 = arith.constant 2 : i32
      %add3A_263 = arith.addi %mul3A_261, %add3A_262 : i32
      %mul3A_264 = arith.constant 16 : i32
      %mul3A_265 = arith.muli %add3A_263, %mul3A_264 : i32
      %add3A_266 = arith.constant 12288 : i32
      %add3A_267 = arith.addi %add3A_266, %mul3A_265 : i32
      %get3A_268 = arith.index_cast %add3A_267 : i32 to index
      %get3A_269 = tpu.vector_load %arg6[%get3A_268] {strides = array<i32>} : memref<16384xi32, #tpu.memory_space<vmem>>, vector<16xi32>,
      %get3A_270 = arith.index_cast %mul3A_265 : i32 to index
      %get3A_271 = tpu.vector_load %arg10[%get3A_270] {strides = array<i32>} : memref<4096xf32, #tpu.memory_space<vmem>>, vector<16xf32>,
      %lt3A_272 = arith.constant 50048 : i32
      %lt3A_273 = vector.broadcast %lt3A_272 : i32 to vector<16xi32>
      %lt3A_274 = arith.cmpi slt, %get3A_269, %lt3A_273 : vector<16xi32>
      %min3A_275 = arith.constant 50047 : i32
      %min3A_276 = vector.broadcast %min3A_275 : i32 to vector<16xi32>
      %min3A_277 = arith.minsi %get3A_269, %min3A_276 : vector<16xi32>
      %sub3A_278 = arith.constant 50048 : i32
      %sub3A_279 = vector.broadcast %sub3A_278 : i32 to vector<16xi32>
      %sub3A_280 = arith.subi %get3A_269, %sub3A_279 : vector<16xi32>
      %max3A_281 = arith.constant 0 : i32
      %max3A_282 = vector.broadcast %max3A_281 : i32 to vector<16xi32>
      %max3A_283 = arith.maxsi %sub3A_280, %max3A_282 : vector<16xi32>
      %gather3A_284 = tpu.vector_load_idx %arg7[%min3A_277] masked %lt3A_274 : memref<50048xf32, #tpu.memory_space<vmem>>[vector<16xi32>], vector<16xf32>, vector<16xi1>
      %not3A_285 = arith.constant dense<true> : vector<16xi1>
      %not3A_286 = arith.xori %lt3A_274, %not3A_285 : vector<16xi1>
      %gather3A_287 = tpu.vector_load_idx %arg8[%max3A_283] masked %not3A_286 : memref<49952xf32, #tpu.memory_space<vmem>>[vector<16xi32>], vector<16xf32>, vector<16xi1>
      %select_n3A_288 = arith.select %lt3A_274, %gather3A_284, %gather3A_287 : vector<16xi1>, vector<16xf32>
      %sub3A_289 = arith.subf %get3A_271, %select_n3A_288 : vector<16xf32>
      %mul3A_290 = arith.mulf %sub3A_289, %sub3A_289 : vector<16xf32>
      %add3A_291 = arith.addf %add3A_259, %mul3A_290 : vector<16xf32>
      %mul3A_292 = arith.constant 4 : i32
      %mul3A_293 = arith.muli %scan3A_202, %mul3A_292 : i32
      %add3A_294 = arith.constant 3 : i32
      %add3A_295 = arith.addi %mul3A_293, %add3A_294 : i32
      %mul3A_296 = arith.constant 16 : i32
      %mul3A_297 = arith.muli %add3A_295, %mul3A_296 : i32
      %add3A_298 = arith.constant 12288 : i32
      %add3A_299 = arith.addi %add3A_298, %mul3A_297 : i32
      %get3A_300 = arith.index_cast %add3A_299 : i32 to index
      %get3A_301 = tpu.vector_load %arg6[%get3A_300] {strides = array<i32>} : memref<16384xi32, #tpu.memory_space<vmem>>, vector<16xi32>,
      %get3A_302 = arith.index_cast %mul3A_297 : i32 to index
      %get3A_303 = tpu.vector_load %arg10[%get3A_302] {strides = array<i32>} : memref<4096xf32, #tpu.memory_space<vmem>>, vector<16xf32>,
      %lt3A_304 = arith.constant 50048 : i32
      %lt3A_305 = vector.broadcast %lt3A_304 : i32 to vector<16xi32>
      %lt3A_306 = arith.cmpi slt, %get3A_301, %lt3A_305 : vector<16xi32>
      %min3A_307 = arith.constant 50047 : i32
      %min3A_308 = vector.broadcast %min3A_307 : i32 to vector<16xi32>
      %min3A_309 = arith.minsi %get3A_301, %min3A_308 : vector<16xi32>
      %sub3A_310 = arith.constant 50048 : i32
      %sub3A_311 = vector.broadcast %sub3A_310 : i32 to vector<16xi32>
      %sub3A_312 = arith.subi %get3A_301, %sub3A_311 : vector<16xi32>
      %max3A_313 = arith.constant 0 : i32
      %max3A_314 = vector.broadcast %max3A_313 : i32 to vector<16xi32>
      %max3A_315 = arith.maxsi %sub3A_312, %max3A_314 : vector<16xi32>
      %gather3A_316 = tpu.vector_load_idx %arg7[%min3A_309] masked %lt3A_306 : memref<50048xf32, #tpu.memory_space<vmem>>[vector<16xi32>], vector<16xf32>, vector<16xi1>
      %not3A_317 = arith.constant dense<true> : vector<16xi1>
      %not3A_318 = arith.xori %lt3A_306, %not3A_317 : vector<16xi1>
      %gather3A_319 = tpu.vector_load_idx %arg8[%max3A_315] masked %not3A_318 : memref<49952xf32, #tpu.memory_space<vmem>>[vector<16xi32>], vector<16xf32>, vector<16xi1>
      %select_n3A_320 = arith.select %lt3A_306, %gather3A_316, %gather3A_319 : vector<16xi1>, vector<16xf32>
      %sub3A_321 = arith.subf %get3A_303, %select_n3A_320 : vector<16xf32>
      %mul3A_322 = arith.mulf %sub3A_321, %sub3A_321 : vector<16xf32>
      %add3A_323 = arith.addf %add3A_291, %mul3A_322 : vector<16xf32>
      scf.yield %add3A_323 : vector<16xf32>
    }
    %scan3A_98 = arith.constant 64 : i32
    %add3A_99 = arith.constant 32 : i32
    %add3A_100 = arith.addi %add3A, %add3A_99 : i32
    %dma_start3A_101 = arith.constant 0 : i32
    %dma_start3A_102 = tpu.memref_slice %arg4[%add3A_100, %dma_start3A_101] : memref<64x100000xf32, #tpu.memory_space<hbm>> -> memref<1x50048xf32, #tpu.memory_space<hbm>>
    %dma_start3A_103 = tpu.memref_squeeze %dma_start3A_102 : memref<1x50048xf32, #tpu.memory_space<hbm>> -> memref<50048xf32, #tpu.memory_space<hbm>>
    %dma_start3A_104 = arith.constant 0 : i32
    %dma_start3A_105 = tpu.memref_slice %arg4[%add3A_100, %dma_start3A_104] : memref<64x100000xf32, #tpu.memory_space<hbm>> -> memref<1x50048xf32, #tpu.memory_space<hbm>>
    %dma_start3A_106 = tpu.memref_squeeze %dma_start3A_105 : memref<1x50048xf32, #tpu.memory_space<hbm>> -> memref<50048xf32, #tpu.memory_space<hbm>>
    tpu.enqueue_dma source(%dma_start3A_106 : memref<50048xf32, #tpu.memory_space<hbm>>) target(%arg7 : memref<50048xf32, #tpu.memory_space<vmem>>) target_semaphore(%arg12 : memref<!tpu.dma_semaphore, #tpu.memory_space<semaphore_mem>>)
    %dma_start3A_107 = arith.constant 50048 : i32
    %dma_start3A_108 = tpu.memref_slice %arg4[%add3A_100, %dma_start3A_107] : memref<64x100000xf32, #tpu.memory_space<hbm>> -> memref<1x49952xf32, #tpu.memory_space<hbm>>
    %dma_start3A_109 = tpu.memref_squeeze %dma_start3A_108 : memref<1x49952xf32, #tpu.memory_space<hbm>> -> memref<49952xf32, #tpu.memory_space<hbm>>
    %dma_start3A_110 = arith.constant 50048 : i32
    %dma_start3A_111 = tpu.memref_slice %arg4[%add3A_100, %dma_start3A_110] : memref<64x100000xf32, #tpu.memory_space<hbm>> -> memref<1x49952xf32, #tpu.memory_space<hbm>>
    %dma_start3A_112 = tpu.memref_squeeze %dma_start3A_111 : memref<1x49952xf32, #tpu.memory_space<hbm>> -> memref<49952xf32, #tpu.memory_space<hbm>>
    tpu.enqueue_dma source(%dma_start3A_112 : memref<49952xf32, #tpu.memory_space<hbm>>) target(%arg8 : memref<49952xf32, #tpu.memory_space<vmem>>) target_semaphore(%arg13 : memref<!tpu.dma_semaphore, #tpu.memory_space<semaphore_mem>>)
    %add3A_113 = arith.constant 32 : i32
    %add3A_114 = arith.addi %add3A, %add3A_113 : i32
    %dma_start3A_115 = arith.constant 0 : i32
    %dma_start3A_116 = tpu.memref_slice %arg2[%add3A_114, %dma_start3A_115] : memref<64x16384xf32, #tpu.memory_space<hbm>> -> memref<1x4096xf32, #tpu.memory_space<hbm>>
    %dma_start3A_117 = tpu.memref_squeeze %dma_start3A_116 : memref<1x4096xf32, #tpu.memory_space<hbm>> -> memref<4096xf32, #tpu.memory_space<hbm>>
    %dma_start3A_118 = arith.constant 0 : i32
    %dma_start3A_119 = tpu.memref_slice %arg2[%add3A_114, %dma_start3A_118] : memref<64x16384xf32, #tpu.memory_space<hbm>> -> memref<1x4096xf32, #tpu.memory_space<hbm>>
    %dma_start3A_120 = tpu.memref_squeeze %dma_start3A_119 : memref<1x4096xf32, #tpu.memory_space<hbm>> -> memref<4096xf32, #tpu.memory_space<hbm>>
    tpu.enqueue_dma source(%dma_start3A_120 : memref<4096xf32, #tpu.memory_space<hbm>>) target(%arg9 : memref<4096xf32, #tpu.memory_space<vmem>>) target_semaphore(%arg14 : memref<!tpu.dma_semaphore, #tpu.memory_space<semaphore_mem>>)
    %add3A_121 = arith.constant 32 : i32
    %add3A_122 = arith.addi %add3A, %add3A_121 : i32
    %dma_wait3A_123 = arith.constant 0 : i32
    %dma_wait3A_124 = tpu.memref_slice %arg4[%add3A_100, %dma_wait3A_123] : memref<64x100000xf32, #tpu.memory_space<hbm>> -> memref<1x50048xf32, #tpu.memory_space<hbm>>
    %dma_wait3A_125 = tpu.memref_squeeze %dma_wait3A_124 : memref<1x50048xf32, #tpu.memory_space<hbm>> -> memref<50048xf32, #tpu.memory_space<hbm>>
    %dma_wait3A_126 = arith.constant 0 : i32
    %dma_wait3A_127 = tpu.memref_slice %arg4[%add3A_100, %dma_wait3A_126] : memref<64x100000xf32, #tpu.memory_space<hbm>> -> memref<1x50048xf32, #tpu.memory_space<hbm>>
    %dma_wait3A_128 = tpu.memref_squeeze %dma_wait3A_127 : memref<1x50048xf32, #tpu.memory_space<hbm>> -> memref<50048xf32, #tpu.memory_space<hbm>>
    tpu.wait_dma2 semaphore(%arg12 : memref<!tpu.dma_semaphore, #tpu.memory_space<semaphore_mem>>) src(%dma_wait3A_128 : memref<50048xf32, #tpu.memory_space<hbm>>) dst(%arg7 : memref<50048xf32, #tpu.memory_space<vmem>>)
    %dma_wait3A_129 = arith.constant 50048 : i32
    %dma_wait3A_130 = tpu.memref_slice %arg4[%add3A_100, %dma_wait3A_129] : memref<64x100000xf32, #tpu.memory_space<hbm>> -> memref<1x49952xf32, #tpu.memory_space<hbm>>
    %dma_wait3A_131 = tpu.memref_squeeze %dma_wait3A_130 : memref<1x49952xf32, #tpu.memory_space<hbm>> -> memref<49952xf32, #tpu.memory_space<hbm>>
    %dma_wait3A_132 = arith.constant 50048 : i32
    %dma_wait3A_133 = tpu.memref_slice %arg4[%add3A_100, %dma_wait3A_132] : memref<64x100000xf32, #tpu.memory_space<hbm>> -> memref<1x49952xf32, #tpu.memory_space<hbm>>
    %dma_wait3A_134 = tpu.memref_squeeze %dma_wait3A_133 : memref<1x49952xf32, #tpu.memory_space<hbm>> -> memref<49952xf32, #tpu.memory_space<hbm>>
    tpu.wait_dma2 semaphore(%arg13 : memref<!tpu.dma_semaphore, #tpu.memory_space<semaphore_mem>>) src(%dma_wait3A_134 : memref<49952xf32, #tpu.memory_space<hbm>>) dst(%arg8 : memref<49952xf32, #tpu.memory_space<vmem>>)
    %dma_wait3A_135 = arith.constant 0 : i32
    %dma_wait3A_136 = tpu.memref_slice %arg2[%add3A_114, %dma_wait3A_135] : memref<64x16384xf32, #tpu.memory_space<hbm>> -> memref<1x4096xf32, #tpu.memory_space<hbm>>
    %dma_wait3A_137 = tpu.memref_squeeze %dma_wait3A_136 : memref<1x4096xf32, #tpu.memory_space<hbm>> -> memref<4096xf32, #tpu.memory_space<hbm>>
    %dma_wait3A_138 = arith.constant 0 : i32
    %dma_wait3A_139 = tpu.memref_slice %arg2[%add3A_114, %dma_wait3A_138] : memref<64x16384xf32, #tpu.memory_space<hbm>> -> memref<1x4096xf32, #tpu.memory_space<hbm>>
    %dma_wait3A_140 = tpu.memref_squeeze %dma_wait3A_139 : memref<1x4096xf32, #tpu.memory_space<hbm>> -> memref<4096xf32, #tpu.memory_space<hbm>>
    tpu.wait_dma2 semaphore(%arg14 : memref<!tpu.dma_semaphore, #tpu.memory_space<semaphore_mem>>) src(%dma_wait3A_140 : memref<4096xf32, #tpu.memory_space<hbm>>) dst(%arg9 : memref<4096xf32, #tpu.memory_space<vmem>>)
    %dma_start3A_141 = arith.constant 4096 : i32
    %dma_start3A_142 = tpu.memref_slice %arg2[%add3A_122, %dma_start3A_141] : memref<64x16384xf32, #tpu.memory_space<hbm>> -> memref<1x4096xf32, #tpu.memory_space<hbm>>
    %dma_start3A_143 = tpu.memref_squeeze %dma_start3A_142 : memref<1x4096xf32, #tpu.memory_space<hbm>> -> memref<4096xf32, #tpu.memory_space<hbm>>
    %dma_start3A_144 = arith.constant 4096 : i32
    %dma_start3A_145 = tpu.memref_slice %arg2[%add3A_122, %dma_start3A_144] : memref<64x16384xf32, #tpu.memory_space<hbm>> -> memref<1x4096xf32, #tpu.memory_space<hbm>>
    %dma_start3A_146 = tpu.memref_squeeze %dma_start3A_145 : memref<1x4096xf32, #tpu.memory_space<hbm>> -> memref<4096xf32, #tpu.memory_space<hbm>>
    tpu.enqueue_dma source(%dma_start3A_146 : memref<4096xf32, #tpu.memory_space<hbm>>) target(%arg10 : memref<4096xf32, #tpu.memory_space<vmem>>) target_semaphore(%arg15 : memref<!tpu.dma_semaphore, #tpu.memory_space<semaphore_mem>>)
    %scan3A_147 = arith.constant 0 : i32
    %scan3A_148 = arith.constant 64 : i32
    %scan3A_149 = arith.addi %scan3A_147, %scan3A_148 : i32
    %scan3A_150 = arith.constant 1 : i32
    %scan3A_151 = scf.for %scan3A_202 = %scan3A_147 to %scan3A_149 step %scan3A_150 iter_args(%scan3A_203 = %scan3A_97) -> (vector<16xf32>)  : i32 {
      %mul3A_204 = arith.constant 4 : i32
      %mul3A_205 = arith.muli %scan3A_202, %mul3A_204 : i32
      %add3A_206 = arith.constant 0 : i32
      %add3A_207 = arith.addi %mul3A_205, %add3A_206 : i32
      %mul3A_208 = arith.constant 16 : i32
      %mul3A_209 = arith.muli %add3A_207, %mul3A_208 : i32
      %add3A_210 = arith.constant 0 : i32
      %add3A_211 = arith.addi %add3A_210, %mul3A_209 : i32
      %get3A = arith.index_cast %add3A_211 : i32 to index
      %get3A_212 = tpu.vector_load %arg6[%get3A] {strides = array<i32>} : memref<16384xi32, #tpu.memory_space<vmem>>, vector<16xi32>,
      %get3A_213 = arith.index_cast %mul3A_209 : i32 to index
      %get3A_214 = tpu.vector_load %arg9[%get3A_213] {strides = array<i32>} : memref<4096xf32, #tpu.memory_space<vmem>>, vector<16xf32>,
      %lt3A = arith.constant 50048 : i32
      %lt3A_215 = vector.broadcast %lt3A : i32 to vector<16xi32>
      %lt3A_216 = arith.cmpi slt, %get3A_212, %lt3A_215 : vector<16xi32>
      %min3A = arith.constant 50047 : i32
      %min3A_217 = vector.broadcast %min3A : i32 to vector<16xi32>
      %min3A_218 = arith.minsi %get3A_212, %min3A_217 : vector<16xi32>
      %sub3A = arith.constant 50048 : i32
      %sub3A_219 = vector.broadcast %sub3A : i32 to vector<16xi32>
      %sub3A_220 = arith.subi %get3A_212, %sub3A_219 : vector<16xi32>
      %max3A = arith.constant 0 : i32
      %max3A_221 = vector.broadcast %max3A : i32 to vector<16xi32>
      %max3A_222 = arith.maxsi %sub3A_220, %max3A_221 : vector<16xi32>
      %gather3A = tpu.vector_load_idx %arg7[%min3A_218] masked %lt3A_216 : memref<50048xf32, #tpu.memory_space<vmem>>[vector<16xi32>], vector<16xf32>, vector<16xi1>
      %not3A = arith.constant dense<true> : vector<16xi1>
      %not3A_223 = arith.xori %lt3A_216, %not3A : vector<16xi1>
      %gather3A_224 = tpu.vector_load_idx %arg8[%max3A_222] masked %not3A_223 : memref<49952xf32, #tpu.memory_space<vmem>>[vector<16xi32>], vector<16xf32>, vector<16xi1>
      %select_n3A = arith.select %lt3A_216, %gather3A, %gather3A_224 : vector<16xi1>, vector<16xf32>
      %sub3A_225 = arith.subf %get3A_214, %select_n3A : vector<16xf32>
      %mul3A_226 = arith.mulf %sub3A_225, %sub3A_225 : vector<16xf32>
      %add3A_227 = arith.addf %scan3A_203, %mul3A_226 : vector<16xf32>
      %mul3A_228 = arith.constant 4 : i32
      %mul3A_229 = arith.muli %scan3A_202, %mul3A_228 : i32
      %add3A_230 = arith.constant 1 : i32
      %add3A_231 = arith.addi %mul3A_229, %add3A_230 : i32
      %mul3A_232 = arith.constant 16 : i32
      %mul3A_233 = arith.muli %add3A_231, %mul3A_232 : i32
      %add3A_234 = arith.constant 0 : i32
      %add3A_235 = arith.addi %add3A_234, %mul3A_233 : i32
      %get3A_236 = arith.index_cast %add3A_235 : i32 to index
      %get3A_237 = tpu.vector_load %arg6[%get3A_236] {strides = array<i32>} : memref<16384xi32, #tpu.memory_space<vmem>>, vector<16xi32>,
      %get3A_238 = arith.index_cast %mul3A_233 : i32 to index
      %get3A_239 = tpu.vector_load %arg9[%get3A_238] {strides = array<i32>} : memref<4096xf32, #tpu.memory_space<vmem>>, vector<16xf32>,
      %lt3A_240 = arith.constant 50048 : i32
      %lt3A_241 = vector.broadcast %lt3A_240 : i32 to vector<16xi32>
      %lt3A_242 = arith.cmpi slt, %get3A_237, %lt3A_241 : vector<16xi32>
      %min3A_243 = arith.constant 50047 : i32
      %min3A_244 = vector.broadcast %min3A_243 : i32 to vector<16xi32>
      %min3A_245 = arith.minsi %get3A_237, %min3A_244 : vector<16xi32>
      %sub3A_246 = arith.constant 50048 : i32
      %sub3A_247 = vector.broadcast %sub3A_246 : i32 to vector<16xi32>
      %sub3A_248 = arith.subi %get3A_237, %sub3A_247 : vector<16xi32>
      %max3A_249 = arith.constant 0 : i32
      %max3A_250 = vector.broadcast %max3A_249 : i32 to vector<16xi32>
      %max3A_251 = arith.maxsi %sub3A_248, %max3A_250 : vector<16xi32>
      %gather3A_252 = tpu.vector_load_idx %arg7[%min3A_245] masked %lt3A_242 : memref<50048xf32, #tpu.memory_space<vmem>>[vector<16xi32>], vector<16xf32>, vector<16xi1>
      %not3A_253 = arith.constant dense<true> : vector<16xi1>
      %not3A_254 = arith.xori %lt3A_242, %not3A_253 : vector<16xi1>
      %gather3A_255 = tpu.vector_load_idx %arg8[%max3A_251] masked %not3A_254 : memref<49952xf32, #tpu.memory_space<vmem>>[vector<16xi32>], vector<16xf32>, vector<16xi1>
      %select_n3A_256 = arith.select %lt3A_242, %gather3A_252, %gather3A_255 : vector<16xi1>, vector<16xf32>
      %sub3A_257 = arith.subf %get3A_239, %select_n3A_256 : vector<16xf32>
      %mul3A_258 = arith.mulf %sub3A_257, %sub3A_257 : vector<16xf32>
      %add3A_259 = arith.addf %add3A_227, %mul3A_258 : vector<16xf32>
      %mul3A_260 = arith.constant 4 : i32
      %mul3A_261 = arith.muli %scan3A_202, %mul3A_260 : i32
      %add3A_262 = arith.constant 2 : i32
      %add3A_263 = arith.addi %mul3A_261, %add3A_262 : i32
      %mul3A_264 = arith.constant 16 : i32
      %mul3A_265 = arith.muli %add3A_263, %mul3A_264 : i32
      %add3A_266 = arith.constant 0 : i32
      %add3A_267 = arith.addi %add3A_266, %mul3A_265 : i32
      %get3A_268 = arith.index_cast %add3A_267 : i32 to index
      %get3A_269 = tpu.vector_load %arg6[%get3A_268] {strides = array<i32>} : memref<16384xi32, #tpu.memory_space<vmem>>, vector<16xi32>,
      %get3A_270 = arith.index_cast %mul3A_265 : i32 to index
      %get3A_271 = tpu.vector_load %arg9[%get3A_270] {strides = array<i32>} : memref<4096xf32, #tpu.memory_space<vmem>>, vector<16xf32>,
      %lt3A_272 = arith.constant 50048 : i32
      %lt3A_273 = vector.broadcast %lt3A_272 : i32 to vector<16xi32>
      %lt3A_274 = arith.cmpi slt, %get3A_269, %lt3A_273 : vector<16xi32>
      %min3A_275 = arith.constant 50047 : i32
      %min3A_276 = vector.broadcast %min3A_275 : i32 to vector<16xi32>
      %min3A_277 = arith.minsi %get3A_269, %min3A_276 : vector<16xi32>
      %sub3A_278 = arith.constant 50048 : i32
      %sub3A_279 = vector.broadcast %sub3A_278 : i32 to vector<16xi32>
      %sub3A_280 = arith.subi %get3A_269, %sub3A_279 : vector<16xi32>
      %max3A_281 = arith.constant 0 : i32
      %max3A_282 = vector.broadcast %max3A_281 : i32 to vector<16xi32>
      %max3A_283 = arith.maxsi %sub3A_280, %max3A_282 : vector<16xi32>
      %gather3A_284 = tpu.vector_load_idx %arg7[%min3A_277] masked %lt3A_274 : memref<50048xf32, #tpu.memory_space<vmem>>[vector<16xi32>], vector<16xf32>, vector<16xi1>
      %not3A_285 = arith.constant dense<true> : vector<16xi1>
      %not3A_286 = arith.xori %lt3A_274, %not3A_285 : vector<16xi1>
      %gather3A_287 = tpu.vector_load_idx %arg8[%max3A_283] masked %not3A_286 : memref<49952xf32, #tpu.memory_space<vmem>>[vector<16xi32>], vector<16xf32>, vector<16xi1>
      %select_n3A_288 = arith.select %lt3A_274, %gather3A_284, %gather3A_287 : vector<16xi1>, vector<16xf32>
      %sub3A_289 = arith.subf %get3A_271, %select_n3A_288 : vector<16xf32>
      %mul3A_290 = arith.mulf %sub3A_289, %sub3A_289 : vector<16xf32>
      %add3A_291 = arith.addf %add3A_259, %mul3A_290 : vector<16xf32>
      %mul3A_292 = arith.constant 4 : i32
      %mul3A_293 = arith.muli %scan3A_202, %mul3A_292 : i32
      %add3A_294 = arith.constant 3 : i32
      %add3A_295 = arith.addi %mul3A_293, %add3A_294 : i32
      %mul3A_296 = arith.constant 16 : i32
      %mul3A_297 = arith.muli %add3A_295, %mul3A_296 : i32
      %add3A_298 = arith.constant 0 : i32
      %add3A_299 = arith.addi %add3A_298, %mul3A_297 : i32
      %get3A_300 = arith.index_cast %add3A_299 : i32 to index
      %get3A_301 = tpu.vector_load %arg6[%get3A_300] {strides = array<i32>} : memref<16384xi32, #tpu.memory_space<vmem>>, vector<16xi32>,
      %get3A_302 = arith.index_cast %mul3A_297 : i32 to index
      %get3A_303 = tpu.vector_load %arg9[%get3A_302] {strides = array<i32>} : memref<4096xf32, #tpu.memory_space<vmem>>, vector<16xf32>,
      %lt3A_304 = arith.constant 50048 : i32
      %lt3A_305 = vector.broadcast %lt3A_304 : i32 to vector<16xi32>
      %lt3A_306 = arith.cmpi slt, %get3A_301, %lt3A_305 : vector<16xi32>
      %min3A_307 = arith.constant 50047 : i32
      %min3A_308 = vector.broadcast %min3A_307 : i32 to vector<16xi32>
      %min3A_309 = arith.minsi %get3A_301, %min3A_308 : vector<16xi32>
      %sub3A_310 = arith.constant 50048 : i32
      %sub3A_311 = vector.broadcast %sub3A_310 : i32 to vector<16xi32>
      %sub3A_312 = arith.subi %get3A_301, %sub3A_311 : vector<16xi32>
      %max3A_313 = arith.constant 0 : i32
      %max3A_314 = vector.broadcast %max3A_313 : i32 to vector<16xi32>
      %max3A_315 = arith.maxsi %sub3A_312, %max3A_314 : vector<16xi32>
      %gather3A_316 = tpu.vector_load_idx %arg7[%min3A_309] masked %lt3A_306 : memref<50048xf32, #tpu.memory_space<vmem>>[vector<16xi32>], vector<16xf32>, vector<16xi1>
      %not3A_317 = arith.constant dense<true> : vector<16xi1>
      %not3A_318 = arith.xori %lt3A_306, %not3A_317 : vector<16xi1>
      %gather3A_319 = tpu.vector_load_idx %arg8[%max3A_315] masked %not3A_318 : memref<49952xf32, #tpu.memory_space<vmem>>[vector<16xi32>], vector<16xf32>, vector<16xi1>
      %select_n3A_320 = arith.select %lt3A_306, %gather3A_316, %gather3A_319 : vector<16xi1>, vector<16xf32>
      %sub3A_321 = arith.subf %get3A_303, %select_n3A_320 : vector<16xf32>
      %mul3A_322 = arith.mulf %sub3A_321, %sub3A_321 : vector<16xf32>
      %add3A_323 = arith.addf %add3A_291, %mul3A_322 : vector<16xf32>
      scf.yield %add3A_323 : vector<16xf32>
    }
    %scan3A_152 = arith.constant 64 : i32
    %dma_wait3A_153 = arith.constant 4096 : i32
    %dma_wait3A_154 = tpu.memref_slice %arg2[%add3A_122, %dma_wait3A_153] : memref<64x16384xf32, #tpu.memory_space<hbm>> -> memref<1x4096xf32, #tpu.memory_space<hbm>>
    %dma_wait3A_155 = tpu.memref_squeeze %dma_wait3A_154 : memref<1x4096xf32, #tpu.memory_space<hbm>> -> memref<4096xf32, #tpu.memory_space<hbm>>
    %dma_wait3A_156 = arith.constant 4096 : i32
    %dma_wait3A_157 = tpu.memref_slice %arg2[%add3A_122, %dma_wait3A_156] : memref<64x16384xf32, #tpu.memory_space<hbm>> -> memref<1x4096xf32, #tpu.memory_space<hbm>>
    %dma_wait3A_158 = tpu.memref_squeeze %dma_wait3A_157 : memref<1x4096xf32, #tpu.memory_space<hbm>> -> memref<4096xf32, #tpu.memory_space<hbm>>
    tpu.wait_dma2 semaphore(%arg15 : memref<!tpu.dma_semaphore, #tpu.memory_space<semaphore_mem>>) src(%dma_wait3A_158 : memref<4096xf32, #tpu.memory_space<hbm>>) dst(%arg10 : memref<4096xf32, #tpu.memory_space<vmem>>)
    %dma_start3A_159 = arith.constant 8192 : i32
    %dma_start3A_160 = tpu.memref_slice %arg2[%add3A_122, %dma_start3A_159] : memref<64x16384xf32, #tpu.memory_space<hbm>> -> memref<1x4096xf32, #tpu.memory_space<hbm>>
    %dma_start3A_161 = tpu.memref_squeeze %dma_start3A_160 : memref<1x4096xf32, #tpu.memory_space<hbm>> -> memref<4096xf32, #tpu.memory_space<hbm>>
    %dma_start3A_162 = arith.constant 8192 : i32
    %dma_start3A_163 = tpu.memref_slice %arg2[%add3A_122, %dma_start3A_162] : memref<64x16384xf32, #tpu.memory_space<hbm>> -> memref<1x4096xf32, #tpu.memory_space<hbm>>
    %dma_start3A_164 = tpu.memref_squeeze %dma_start3A_163 : memref<1x4096xf32, #tpu.memory_space<hbm>> -> memref<4096xf32, #tpu.memory_space<hbm>>
    tpu.enqueue_dma source(%dma_start3A_164 : memref<4096xf32, #tpu.memory_space<hbm>>) target(%arg9 : memref<4096xf32, #tpu.memory_space<vmem>>) target_semaphore(%arg14 : memref<!tpu.dma_semaphore, #tpu.memory_space<semaphore_mem>>)
    %scan3A_165 = arith.constant 0 : i32
    %scan3A_166 = arith.constant 64 : i32
    %scan3A_167 = arith.addi %scan3A_165, %scan3A_166 : i32
    %scan3A_168 = arith.constant 1 : i32
    %scan3A_169 = scf.for %scan3A_202 = %scan3A_165 to %scan3A_167 step %scan3A_168 iter_args(%scan3A_203 = %scan3A_151) -> (vector<16xf32>)  : i32 {
      %mul3A_204 = arith.constant 4 : i32
      %mul3A_205 = arith.muli %scan3A_202, %mul3A_204 : i32
      %add3A_206 = arith.constant 0 : i32
      %add3A_207 = arith.addi %mul3A_205, %add3A_206 : i32
      %mul3A_208 = arith.constant 16 : i32
      %mul3A_209 = arith.muli %add3A_207, %mul3A_208 : i32
      %add3A_210 = arith.constant 4096 : i32
      %add3A_211 = arith.addi %add3A_210, %mul3A_209 : i32
      %get3A = arith.index_cast %add3A_211 : i32 to index
      %get3A_212 = tpu.vector_load %arg6[%get3A] {strides = array<i32>} : memref<16384xi32, #tpu.memory_space<vmem>>, vector<16xi32>,
      %get3A_213 = arith.index_cast %mul3A_209 : i32 to index
      %get3A_214 = tpu.vector_load %arg10[%get3A_213] {strides = array<i32>} : memref<4096xf32, #tpu.memory_space<vmem>>, vector<16xf32>,
      %lt3A = arith.constant 50048 : i32
      %lt3A_215 = vector.broadcast %lt3A : i32 to vector<16xi32>
      %lt3A_216 = arith.cmpi slt, %get3A_212, %lt3A_215 : vector<16xi32>
      %min3A = arith.constant 50047 : i32
      %min3A_217 = vector.broadcast %min3A : i32 to vector<16xi32>
      %min3A_218 = arith.minsi %get3A_212, %min3A_217 : vector<16xi32>
      %sub3A = arith.constant 50048 : i32
      %sub3A_219 = vector.broadcast %sub3A : i32 to vector<16xi32>
      %sub3A_220 = arith.subi %get3A_212, %sub3A_219 : vector<16xi32>
      %max3A = arith.constant 0 : i32
      %max3A_221 = vector.broadcast %max3A : i32 to vector<16xi32>
      %max3A_222 = arith.maxsi %sub3A_220, %max3A_221 : vector<16xi32>
      %gather3A = tpu.vector_load_idx %arg7[%min3A_218] masked %lt3A_216 : memref<50048xf32, #tpu.memory_space<vmem>>[vector<16xi32>], vector<16xf32>, vector<16xi1>
      %not3A = arith.constant dense<true> : vector<16xi1>
      %not3A_223 = arith.xori %lt3A_216, %not3A : vector<16xi1>
      %gather3A_224 = tpu.vector_load_idx %arg8[%max3A_222] masked %not3A_223 : memref<49952xf32, #tpu.memory_space<vmem>>[vector<16xi32>], vector<16xf32>, vector<16xi1>
      %select_n3A = arith.select %lt3A_216, %gather3A, %gather3A_224 : vector<16xi1>, vector<16xf32>
      %sub3A_225 = arith.subf %get3A_214, %select_n3A : vector<16xf32>
      %mul3A_226 = arith.mulf %sub3A_225, %sub3A_225 : vector<16xf32>
      %add3A_227 = arith.addf %scan3A_203, %mul3A_226 : vector<16xf32>
      %mul3A_228 = arith.constant 4 : i32
      %mul3A_229 = arith.muli %scan3A_202, %mul3A_228 : i32
      %add3A_230 = arith.constant 1 : i32
      %add3A_231 = arith.addi %mul3A_229, %add3A_230 : i32
      %mul3A_232 = arith.constant 16 : i32
      %mul3A_233 = arith.muli %add3A_231, %mul3A_232 : i32
      %add3A_234 = arith.constant 4096 : i32
      %add3A_235 = arith.addi %add3A_234, %mul3A_233 : i32
      %get3A_236 = arith.index_cast %add3A_235 : i32 to index
      %get3A_237 = tpu.vector_load %arg6[%get3A_236] {strides = array<i32>} : memref<16384xi32, #tpu.memory_space<vmem>>, vector<16xi32>,
      %get3A_238 = arith.index_cast %mul3A_233 : i32 to index
      %get3A_239 = tpu.vector_load %arg10[%get3A_238] {strides = array<i32>} : memref<4096xf32, #tpu.memory_space<vmem>>, vector<16xf32>,
      %lt3A_240 = arith.constant 50048 : i32
      %lt3A_241 = vector.broadcast %lt3A_240 : i32 to vector<16xi32>
      %lt3A_242 = arith.cmpi slt, %get3A_237, %lt3A_241 : vector<16xi32>
      %min3A_243 = arith.constant 50047 : i32
      %min3A_244 = vector.broadcast %min3A_243 : i32 to vector<16xi32>
      %min3A_245 = arith.minsi %get3A_237, %min3A_244 : vector<16xi32>
      %sub3A_246 = arith.constant 50048 : i32
      %sub3A_247 = vector.broadcast %sub3A_246 : i32 to vector<16xi32>
      %sub3A_248 = arith.subi %get3A_237, %sub3A_247 : vector<16xi32>
      %max3A_249 = arith.constant 0 : i32
      %max3A_250 = vector.broadcast %max3A_249 : i32 to vector<16xi32>
      %max3A_251 = arith.maxsi %sub3A_248, %max3A_250 : vector<16xi32>
      %gather3A_252 = tpu.vector_load_idx %arg7[%min3A_245] masked %lt3A_242 : memref<50048xf32, #tpu.memory_space<vmem>>[vector<16xi32>], vector<16xf32>, vector<16xi1>
      %not3A_253 = arith.constant dense<true> : vector<16xi1>
      %not3A_254 = arith.xori %lt3A_242, %not3A_253 : vector<16xi1>
      %gather3A_255 = tpu.vector_load_idx %arg8[%max3A_251] masked %not3A_254 : memref<49952xf32, #tpu.memory_space<vmem>>[vector<16xi32>], vector<16xf32>, vector<16xi1>
      %select_n3A_256 = arith.select %lt3A_242, %gather3A_252, %gather3A_255 : vector<16xi1>, vector<16xf32>
      %sub3A_257 = arith.subf %get3A_239, %select_n3A_256 : vector<16xf32>
      %mul3A_258 = arith.mulf %sub3A_257, %sub3A_257 : vector<16xf32>
      %add3A_259 = arith.addf %add3A_227, %mul3A_258 : vector<16xf32>
      %mul3A_260 = arith.constant 4 : i32
      %mul3A_261 = arith.muli %scan3A_202, %mul3A_260 : i32
      %add3A_262 = arith.constant 2 : i32
      %add3A_263 = arith.addi %mul3A_261, %add3A_262 : i32
      %mul3A_264 = arith.constant 16 : i32
      %mul3A_265 = arith.muli %add3A_263, %mul3A_264 : i32
      %add3A_266 = arith.constant 4096 : i32
      %add3A_267 = arith.addi %add3A_266, %mul3A_265 : i32
      %get3A_268 = arith.index_cast %add3A_267 : i32 to index
      %get3A_269 = tpu.vector_load %arg6[%get3A_268] {strides = array<i32>} : memref<16384xi32, #tpu.memory_space<vmem>>, vector<16xi32>,
      %get3A_270 = arith.index_cast %mul3A_265 : i32 to index
      %get3A_271 = tpu.vector_load %arg10[%get3A_270] {strides = array<i32>} : memref<4096xf32, #tpu.memory_space<vmem>>, vector<16xf32>,
      %lt3A_272 = arith.constant 50048 : i32
      %lt3A_273 = vector.broadcast %lt3A_272 : i32 to vector<16xi32>
      %lt3A_274 = arith.cmpi slt, %get3A_269, %lt3A_273 : vector<16xi32>
      %min3A_275 = arith.constant 50047 : i32
      %min3A_276 = vector.broadcast %min3A_275 : i32 to vector<16xi32>
      %min3A_277 = arith.minsi %get3A_269, %min3A_276 : vector<16xi32>
      %sub3A_278 = arith.constant 50048 : i32
      %sub3A_279 = vector.broadcast %sub3A_278 : i32 to vector<16xi32>
      %sub3A_280 = arith.subi %get3A_269, %sub3A_279 : vector<16xi32>
      %max3A_281 = arith.constant 0 : i32
      %max3A_282 = vector.broadcast %max3A_281 : i32 to vector<16xi32>
      %max3A_283 = arith.maxsi %sub3A_280, %max3A_282 : vector<16xi32>
      %gather3A_284 = tpu.vector_load_idx %arg7[%min3A_277] masked %lt3A_274 : memref<50048xf32, #tpu.memory_space<vmem>>[vector<16xi32>], vector<16xf32>, vector<16xi1>
      %not3A_285 = arith.constant dense<true> : vector<16xi1>
      %not3A_286 = arith.xori %lt3A_274, %not3A_285 : vector<16xi1>
      %gather3A_287 = tpu.vector_load_idx %arg8[%max3A_283] masked %not3A_286 : memref<49952xf32, #tpu.memory_space<vmem>>[vector<16xi32>], vector<16xf32>, vector<16xi1>
      %select_n3A_288 = arith.select %lt3A_274, %gather3A_284, %gather3A_287 : vector<16xi1>, vector<16xf32>
      %sub3A_289 = arith.subf %get3A_271, %select_n3A_288 : vector<16xf32>
      %mul3A_290 = arith.mulf %sub3A_289, %sub3A_289 : vector<16xf32>
      %add3A_291 = arith.addf %add3A_259, %mul3A_290 : vector<16xf32>
      %mul3A_292 = arith.constant 4 : i32
      %mul3A_293 = arith.muli %scan3A_202, %mul3A_292 : i32
      %add3A_294 = arith.constant 3 : i32
      %add3A_295 = arith.addi %mul3A_293, %add3A_294 : i32
      %mul3A_296 = arith.constant 16 : i32
      %mul3A_297 = arith.muli %add3A_295, %mul3A_296 : i32
      %add3A_298 = arith.constant 4096 : i32
      %add3A_299 = arith.addi %add3A_298, %mul3A_297 : i32
      %get3A_300 = arith.index_cast %add3A_299 : i32 to index
      %get3A_301 = tpu.vector_load %arg6[%get3A_300] {strides = array<i32>} : memref<16384xi32, #tpu.memory_space<vmem>>, vector<16xi32>,
      %get3A_302 = arith.index_cast %mul3A_297 : i32 to index
      %get3A_303 = tpu.vector_load %arg10[%get3A_302] {strides = array<i32>} : memref<4096xf32, #tpu.memory_space<vmem>>, vector<16xf32>,
      %lt3A_304 = arith.constant 50048 : i32
      %lt3A_305 = vector.broadcast %lt3A_304 : i32 to vector<16xi32>
      %lt3A_306 = arith.cmpi slt, %get3A_301, %lt3A_305 : vector<16xi32>
      %min3A_307 = arith.constant 50047 : i32
      %min3A_308 = vector.broadcast %min3A_307 : i32 to vector<16xi32>
      %min3A_309 = arith.minsi %get3A_301, %min3A_308 : vector<16xi32>
      %sub3A_310 = arith.constant 50048 : i32
      %sub3A_311 = vector.broadcast %sub3A_310 : i32 to vector<16xi32>
      %sub3A_312 = arith.subi %get3A_301, %sub3A_311 : vector<16xi32>
      %max3A_313 = arith.constant 0 : i32
      %max3A_314 = vector.broadcast %max3A_313 : i32 to vector<16xi32>
      %max3A_315 = arith.maxsi %sub3A_312, %max3A_314 : vector<16xi32>
      %gather3A_316 = tpu.vector_load_idx %arg7[%min3A_309] masked %lt3A_306 : memref<50048xf32, #tpu.memory_space<vmem>>[vector<16xi32>], vector<16xf32>, vector<16xi1>
      %not3A_317 = arith.constant dense<true> : vector<16xi1>
      %not3A_318 = arith.xori %lt3A_306, %not3A_317 : vector<16xi1>
      %gather3A_319 = tpu.vector_load_idx %arg8[%max3A_315] masked %not3A_318 : memref<49952xf32, #tpu.memory_space<vmem>>[vector<16xi32>], vector<16xf32>, vector<16xi1>
      %select_n3A_320 = arith.select %lt3A_306, %gather3A_316, %gather3A_319 : vector<16xi1>, vector<16xf32>
      %sub3A_321 = arith.subf %get3A_303, %select_n3A_320 : vector<16xf32>
      %mul3A_322 = arith.mulf %sub3A_321, %sub3A_321 : vector<16xf32>
      %add3A_323 = arith.addf %add3A_291, %mul3A_322 : vector<16xf32>
      scf.yield %add3A_323 : vector<16xf32>
    }
    %scan3A_170 = arith.constant 64 : i32
    %dma_wait3A_171 = arith.constant 8192 : i32
    %dma_wait3A_172 = tpu.memref_slice %arg2[%add3A_122, %dma_wait3A_171] : memref<64x16384xf32, #tpu.memory_space<hbm>> -> memref<1x4096xf32, #tpu.memory_space<hbm>>
    %dma_wait3A_173 = tpu.memref_squeeze %dma_wait3A_172 : memref<1x4096xf32, #tpu.memory_space<hbm>> -> memref<4096xf32, #tpu.memory_space<hbm>>
    %dma_wait3A_174 = arith.constant 8192 : i32
    %dma_wait3A_175 = tpu.memref_slice %arg2[%add3A_122, %dma_wait3A_174] : memref<64x16384xf32, #tpu.memory_space<hbm>> -> memref<1x4096xf32, #tpu.memory_space<hbm>>
    %dma_wait3A_176 = tpu.memref_squeeze %dma_wait3A_175 : memref<1x4096xf32, #tpu.memory_space<hbm>> -> memref<4096xf32, #tpu.memory_space<hbm>>
    tpu.wait_dma2 semaphore(%arg14 : memref<!tpu.dma_semaphore, #tpu.memory_space<semaphore_mem>>) src(%dma_wait3A_176 : memref<4096xf32, #tpu.memory_space<hbm>>) dst(%arg9 : memref<4096xf32, #tpu.memory_space<vmem>>)
    %dma_start3A_177 = arith.constant 12288 : i32
    %dma_start3A_178 = tpu.memref_slice %arg2[%add3A_122, %dma_start3A_177] : memref<64x16384xf32, #tpu.memory_space<hbm>> -> memref<1x4096xf32, #tpu.memory_space<hbm>>
    %dma_start3A_179 = tpu.memref_squeeze %dma_start3A_178 : memref<1x4096xf32, #tpu.memory_space<hbm>> -> memref<4096xf32, #tpu.memory_space<hbm>>
    %dma_start3A_180 = arith.constant 12288 : i32
    %dma_start3A_181 = tpu.memref_slice %arg2[%add3A_122, %dma_start3A_180] : memref<64x16384xf32, #tpu.memory_space<hbm>> -> memref<1x4096xf32, #tpu.memory_space<hbm>>
    %dma_start3A_182 = tpu.memref_squeeze %dma_start3A_181 : memref<1x4096xf32, #tpu.memory_space<hbm>> -> memref<4096xf32, #tpu.memory_space<hbm>>
    tpu.enqueue_dma source(%dma_start3A_182 : memref<4096xf32, #tpu.memory_space<hbm>>) target(%arg10 : memref<4096xf32, #tpu.memory_space<vmem>>) target_semaphore(%arg15 : memref<!tpu.dma_semaphore, #tpu.memory_space<semaphore_mem>>)
    %scan3A_183 = arith.constant 0 : i32
    %scan3A_184 = arith.constant 64 : i32
    %scan3A_185 = arith.addi %scan3A_183, %scan3A_184 : i32
    %scan3A_186 = arith.constant 1 : i32
    %scan3A_187 = scf.for %scan3A_202 = %scan3A_183 to %scan3A_185 step %scan3A_186 iter_args(%scan3A_203 = %scan3A_169) -> (vector<16xf32>)  : i32 {
      %mul3A_204 = arith.constant 4 : i32
      %mul3A_205 = arith.muli %scan3A_202, %mul3A_204 : i32
      %add3A_206 = arith.constant 0 : i32
      %add3A_207 = arith.addi %mul3A_205, %add3A_206 : i32
      %mul3A_208 = arith.constant 16 : i32
      %mul3A_209 = arith.muli %add3A_207, %mul3A_208 : i32
      %add3A_210 = arith.constant 8192 : i32
      %add3A_211 = arith.addi %add3A_210, %mul3A_209 : i32
      %get3A = arith.index_cast %add3A_211 : i32 to index
      %get3A_212 = tpu.vector_load %arg6[%get3A] {strides = array<i32>} : memref<16384xi32, #tpu.memory_space<vmem>>, vector<16xi32>,
      %get3A_213 = arith.index_cast %mul3A_209 : i32 to index
      %get3A_214 = tpu.vector_load %arg9[%get3A_213] {strides = array<i32>} : memref<4096xf32, #tpu.memory_space<vmem>>, vector<16xf32>,
      %lt3A = arith.constant 50048 : i32
      %lt3A_215 = vector.broadcast %lt3A : i32 to vector<16xi32>
      %lt3A_216 = arith.cmpi slt, %get3A_212, %lt3A_215 : vector<16xi32>
      %min3A = arith.constant 50047 : i32
      %min3A_217 = vector.broadcast %min3A : i32 to vector<16xi32>
      %min3A_218 = arith.minsi %get3A_212, %min3A_217 : vector<16xi32>
      %sub3A = arith.constant 50048 : i32
      %sub3A_219 = vector.broadcast %sub3A : i32 to vector<16xi32>
      %sub3A_220 = arith.subi %get3A_212, %sub3A_219 : vector<16xi32>
      %max3A = arith.constant 0 : i32
      %max3A_221 = vector.broadcast %max3A : i32 to vector<16xi32>
      %max3A_222 = arith.maxsi %sub3A_220, %max3A_221 : vector<16xi32>
      %gather3A = tpu.vector_load_idx %arg7[%min3A_218] masked %lt3A_216 : memref<50048xf32, #tpu.memory_space<vmem>>[vector<16xi32>], vector<16xf32>, vector<16xi1>
      %not3A = arith.constant dense<true> : vector<16xi1>
      %not3A_223 = arith.xori %lt3A_216, %not3A : vector<16xi1>
      %gather3A_224 = tpu.vector_load_idx %arg8[%max3A_222] masked %not3A_223 : memref<49952xf32, #tpu.memory_space<vmem>>[vector<16xi32>], vector<16xf32>, vector<16xi1>
      %select_n3A = arith.select %lt3A_216, %gather3A, %gather3A_224 : vector<16xi1>, vector<16xf32>
      %sub3A_225 = arith.subf %get3A_214, %select_n3A : vector<16xf32>
      %mul3A_226 = arith.mulf %sub3A_225, %sub3A_225 : vector<16xf32>
      %add3A_227 = arith.addf %scan3A_203, %mul3A_226 : vector<16xf32>
      %mul3A_228 = arith.constant 4 : i32
      %mul3A_229 = arith.muli %scan3A_202, %mul3A_228 : i32
      %add3A_230 = arith.constant 1 : i32
      %add3A_231 = arith.addi %mul3A_229, %add3A_230 : i32
      %mul3A_232 = arith.constant 16 : i32
      %mul3A_233 = arith.muli %add3A_231, %mul3A_232 : i32
      %add3A_234 = arith.constant 8192 : i32
      %add3A_235 = arith.addi %add3A_234, %mul3A_233 : i32
      %get3A_236 = arith.index_cast %add3A_235 : i32 to index
      %get3A_237 = tpu.vector_load %arg6[%get3A_236] {strides = array<i32>} : memref<16384xi32, #tpu.memory_space<vmem>>, vector<16xi32>,
      %get3A_238 = arith.index_cast %mul3A_233 : i32 to index
      %get3A_239 = tpu.vector_load %arg9[%get3A_238] {strides = array<i32>} : memref<4096xf32, #tpu.memory_space<vmem>>, vector<16xf32>,
      %lt3A_240 = arith.constant 50048 : i32
      %lt3A_241 = vector.broadcast %lt3A_240 : i32 to vector<16xi32>
      %lt3A_242 = arith.cmpi slt, %get3A_237, %lt3A_241 : vector<16xi32>
      %min3A_243 = arith.constant 50047 : i32
      %min3A_244 = vector.broadcast %min3A_243 : i32 to vector<16xi32>
      %min3A_245 = arith.minsi %get3A_237, %min3A_244 : vector<16xi32>
      %sub3A_246 = arith.constant 50048 : i32
      %sub3A_247 = vector.broadcast %sub3A_246 : i32 to vector<16xi32>
      %sub3A_248 = arith.subi %get3A_237, %sub3A_247 : vector<16xi32>
      %max3A_249 = arith.constant 0 : i32
      %max3A_250 = vector.broadcast %max3A_249 : i32 to vector<16xi32>
      %max3A_251 = arith.maxsi %sub3A_248, %max3A_250 : vector<16xi32>
      %gather3A_252 = tpu.vector_load_idx %arg7[%min3A_245] masked %lt3A_242 : memref<50048xf32, #tpu.memory_space<vmem>>[vector<16xi32>], vector<16xf32>, vector<16xi1>
      %not3A_253 = arith.constant dense<true> : vector<16xi1>
      %not3A_254 = arith.xori %lt3A_242, %not3A_253 : vector<16xi1>
      %gather3A_255 = tpu.vector_load_idx %arg8[%max3A_251] masked %not3A_254 : memref<49952xf32, #tpu.memory_space<vmem>>[vector<16xi32>], vector<16xf32>, vector<16xi1>
      %select_n3A_256 = arith.select %lt3A_242, %gather3A_252, %gather3A_255 : vector<16xi1>, vector<16xf32>
      %sub3A_257 = arith.subf %get3A_239, %select_n3A_256 : vector<16xf32>
      %mul3A_258 = arith.mulf %sub3A_257, %sub3A_257 : vector<16xf32>
      %add3A_259 = arith.addf %add3A_227, %mul3A_258 : vector<16xf32>
      %mul3A_260 = arith.constant 4 : i32
      %mul3A_261 = arith.muli %scan3A_202, %mul3A_260 : i32
      %add3A_262 = arith.constant 2 : i32
      %add3A_263 = arith.addi %mul3A_261, %add3A_262 : i32
      %mul3A_264 = arith.constant 16 : i32
      %mul3A_265 = arith.muli %add3A_263, %mul3A_264 : i32
      %add3A_266 = arith.constant 8192 : i32
      %add3A_267 = arith.addi %add3A_266, %mul3A_265 : i32
      %get3A_268 = arith.index_cast %add3A_267 : i32 to index
      %get3A_269 = tpu.vector_load %arg6[%get3A_268] {strides = array<i32>} : memref<16384xi32, #tpu.memory_space<vmem>>, vector<16xi32>,
      %get3A_270 = arith.index_cast %mul3A_265 : i32 to index
      %get3A_271 = tpu.vector_load %arg9[%get3A_270] {strides = array<i32>} : memref<4096xf32, #tpu.memory_space<vmem>>, vector<16xf32>,
      %lt3A_272 = arith.constant 50048 : i32
      %lt3A_273 = vector.broadcast %lt3A_272 : i32 to vector<16xi32>
      %lt3A_274 = arith.cmpi slt, %get3A_269, %lt3A_273 : vector<16xi32>
      %min3A_275 = arith.constant 50047 : i32
      %min3A_276 = vector.broadcast %min3A_275 : i32 to vector<16xi32>
      %min3A_277 = arith.minsi %get3A_269, %min3A_276 : vector<16xi32>
      %sub3A_278 = arith.constant 50048 : i32
      %sub3A_279 = vector.broadcast %sub3A_278 : i32 to vector<16xi32>
      %sub3A_280 = arith.subi %get3A_269, %sub3A_279 : vector<16xi32>
      %max3A_281 = arith.constant 0 : i32
      %max3A_282 = vector.broadcast %max3A_281 : i32 to vector<16xi32>
      %max3A_283 = arith.maxsi %sub3A_280, %max3A_282 : vector<16xi32>
      %gather3A_284 = tpu.vector_load_idx %arg7[%min3A_277] masked %lt3A_274 : memref<50048xf32, #tpu.memory_space<vmem>>[vector<16xi32>], vector<16xf32>, vector<16xi1>
      %not3A_285 = arith.constant dense<true> : vector<16xi1>
      %not3A_286 = arith.xori %lt3A_274, %not3A_285 : vector<16xi1>
      %gather3A_287 = tpu.vector_load_idx %arg8[%max3A_283] masked %not3A_286 : memref<49952xf32, #tpu.memory_space<vmem>>[vector<16xi32>], vector<16xf32>, vector<16xi1>
      %select_n3A_288 = arith.select %lt3A_274, %gather3A_284, %gather3A_287 : vector<16xi1>, vector<16xf32>
      %sub3A_289 = arith.subf %get3A_271, %select_n3A_288 : vector<16xf32>
      %mul3A_290 = arith.mulf %sub3A_289, %sub3A_289 : vector<16xf32>
      %add3A_291 = arith.addf %add3A_259, %mul3A_290 : vector<16xf32>
      %mul3A_292 = arith.constant 4 : i32
      %mul3A_293 = arith.muli %scan3A_202, %mul3A_292 : i32
      %add3A_294 = arith.constant 3 : i32
      %add3A_295 = arith.addi %mul3A_293, %add3A_294 : i32
      %mul3A_296 = arith.constant 16 : i32
      %mul3A_297 = arith.muli %add3A_295, %mul3A_296 : i32
      %add3A_298 = arith.constant 8192 : i32
      %add3A_299 = arith.addi %add3A_298, %mul3A_297 : i32
      %get3A_300 = arith.index_cast %add3A_299 : i32 to index
      %get3A_301 = tpu.vector_load %arg6[%get3A_300] {strides = array<i32>} : memref<16384xi32, #tpu.memory_space<vmem>>, vector<16xi32>,
      %get3A_302 = arith.index_cast %mul3A_297 : i32 to index
      %get3A_303 = tpu.vector_load %arg9[%get3A_302] {strides = array<i32>} : memref<4096xf32, #tpu.memory_space<vmem>>, vector<16xf32>,
      %lt3A_304 = arith.constant 50048 : i32
      %lt3A_305 = vector.broadcast %lt3A_304 : i32 to vector<16xi32>
      %lt3A_306 = arith.cmpi slt, %get3A_301, %lt3A_305 : vector<16xi32>
      %min3A_307 = arith.constant 50047 : i32
      %min3A_308 = vector.broadcast %min3A_307 : i32 to vector<16xi32>
      %min3A_309 = arith.minsi %get3A_301, %min3A_308 : vector<16xi32>
      %sub3A_310 = arith.constant 50048 : i32
      %sub3A_311 = vector.broadcast %sub3A_310 : i32 to vector<16xi32>
      %sub3A_312 = arith.subi %get3A_301, %sub3A_311 : vector<16xi32>
      %max3A_313 = arith.constant 0 : i32
      %max3A_314 = vector.broadcast %max3A_313 : i32 to vector<16xi32>
      %max3A_315 = arith.maxsi %sub3A_312, %max3A_314 : vector<16xi32>
      %gather3A_316 = tpu.vector_load_idx %arg7[%min3A_309] masked %lt3A_306 : memref<50048xf32, #tpu.memory_space<vmem>>[vector<16xi32>], vector<16xf32>, vector<16xi1>
      %not3A_317 = arith.constant dense<true> : vector<16xi1>
      %not3A_318 = arith.xori %lt3A_306, %not3A_317 : vector<16xi1>
      %gather3A_319 = tpu.vector_load_idx %arg8[%max3A_315] masked %not3A_318 : memref<49952xf32, #tpu.memory_space<vmem>>[vector<16xi32>], vector<16xf32>, vector<16xi1>
      %select_n3A_320 = arith.select %lt3A_306, %gather3A_316, %gather3A_319 : vector<16xi1>, vector<16xf32>
      %sub3A_321 = arith.subf %get3A_303, %select_n3A_320 : vector<16xf32>
      %mul3A_322 = arith.mulf %sub3A_321, %sub3A_321 : vector<16xf32>
      %add3A_323 = arith.addf %add3A_291, %mul3A_322 : vector<16xf32>
      scf.yield %add3A_323 : vector<16xf32>
    }
    %scan3A_188 = arith.constant 64 : i32
    %dma_wait3A_189 = arith.constant 12288 : i32
    %dma_wait3A_190 = tpu.memref_slice %arg2[%add3A_122, %dma_wait3A_189] : memref<64x16384xf32, #tpu.memory_space<hbm>> -> memref<1x4096xf32, #tpu.memory_space<hbm>>
    %dma_wait3A_191 = tpu.memref_squeeze %dma_wait3A_190 : memref<1x4096xf32, #tpu.memory_space<hbm>> -> memref<4096xf32, #tpu.memory_space<hbm>>
    %dma_wait3A_192 = arith.constant 12288 : i32
    %dma_wait3A_193 = tpu.memref_slice %arg2[%add3A_122, %dma_wait3A_192] : memref<64x16384xf32, #tpu.memory_space<hbm>> -> memref<1x4096xf32, #tpu.memory_space<hbm>>
    %dma_wait3A_194 = tpu.memref_squeeze %dma_wait3A_193 : memref<1x4096xf32, #tpu.memory_space<hbm>> -> memref<4096xf32, #tpu.memory_space<hbm>>
    tpu.wait_dma2 semaphore(%arg15 : memref<!tpu.dma_semaphore, #tpu.memory_space<semaphore_mem>>) src(%dma_wait3A_194 : memref<4096xf32, #tpu.memory_space<hbm>>) dst(%arg10 : memref<4096xf32, #tpu.memory_space<vmem>>)
    %scan3A_195 = arith.constant 0 : i32
    %scan3A_196 = arith.constant 64 : i32
    %scan3A_197 = arith.addi %scan3A_195, %scan3A_196 : i32
    %scan3A_198 = arith.constant 1 : i32
    %scan3A_199 = scf.for %scan3A_202 = %scan3A_195 to %scan3A_197 step %scan3A_198 iter_args(%scan3A_203 = %scan3A_187) -> (vector<16xf32>)  : i32 {
      %mul3A_204 = arith.constant 4 : i32
      %mul3A_205 = arith.muli %scan3A_202, %mul3A_204 : i32
      %add3A_206 = arith.constant 0 : i32
      %add3A_207 = arith.addi %mul3A_205, %add3A_206 : i32
      %mul3A_208 = arith.constant 16 : i32
      %mul3A_209 = arith.muli %add3A_207, %mul3A_208 : i32
      %add3A_210 = arith.constant 12288 : i32
      %add3A_211 = arith.addi %add3A_210, %mul3A_209 : i32
      %get3A = arith.index_cast %add3A_211 : i32 to index
      %get3A_212 = tpu.vector_load %arg6[%get3A] {strides = array<i32>} : memref<16384xi32, #tpu.memory_space<vmem>>, vector<16xi32>,
      %get3A_213 = arith.index_cast %mul3A_209 : i32 to index
      %get3A_214 = tpu.vector_load %arg10[%get3A_213] {strides = array<i32>} : memref<4096xf32, #tpu.memory_space<vmem>>, vector<16xf32>,
      %lt3A = arith.constant 50048 : i32
      %lt3A_215 = vector.broadcast %lt3A : i32 to vector<16xi32>
      %lt3A_216 = arith.cmpi slt, %get3A_212, %lt3A_215 : vector<16xi32>
      %min3A = arith.constant 50047 : i32
      %min3A_217 = vector.broadcast %min3A : i32 to vector<16xi32>
      %min3A_218 = arith.minsi %get3A_212, %min3A_217 : vector<16xi32>
      %sub3A = arith.constant 50048 : i32
      %sub3A_219 = vector.broadcast %sub3A : i32 to vector<16xi32>
      %sub3A_220 = arith.subi %get3A_212, %sub3A_219 : vector<16xi32>
      %max3A = arith.constant 0 : i32
      %max3A_221 = vector.broadcast %max3A : i32 to vector<16xi32>
      %max3A_222 = arith.maxsi %sub3A_220, %max3A_221 : vector<16xi32>
      %gather3A = tpu.vector_load_idx %arg7[%min3A_218] masked %lt3A_216 : memref<50048xf32, #tpu.memory_space<vmem>>[vector<16xi32>], vector<16xf32>, vector<16xi1>
      %not3A = arith.constant dense<true> : vector<16xi1>
      %not3A_223 = arith.xori %lt3A_216, %not3A : vector<16xi1>
      %gather3A_224 = tpu.vector_load_idx %arg8[%max3A_222] masked %not3A_223 : memref<49952xf32, #tpu.memory_space<vmem>>[vector<16xi32>], vector<16xf32>, vector<16xi1>
      %select_n3A = arith.select %lt3A_216, %gather3A, %gather3A_224 : vector<16xi1>, vector<16xf32>
      %sub3A_225 = arith.subf %get3A_214, %select_n3A : vector<16xf32>
      %mul3A_226 = arith.mulf %sub3A_225, %sub3A_225 : vector<16xf32>
      %add3A_227 = arith.addf %scan3A_203, %mul3A_226 : vector<16xf32>
      %mul3A_228 = arith.constant 4 : i32
      %mul3A_229 = arith.muli %scan3A_202, %mul3A_228 : i32
      %add3A_230 = arith.constant 1 : i32
      %add3A_231 = arith.addi %mul3A_229, %add3A_230 : i32
      %mul3A_232 = arith.constant 16 : i32
      %mul3A_233 = arith.muli %add3A_231, %mul3A_232 : i32
      %add3A_234 = arith.constant 12288 : i32
      %add3A_235 = arith.addi %add3A_234, %mul3A_233 : i32
      %get3A_236 = arith.index_cast %add3A_235 : i32 to index
      %get3A_237 = tpu.vector_load %arg6[%get3A_236] {strides = array<i32>} : memref<16384xi32, #tpu.memory_space<vmem>>, vector<16xi32>,
      %get3A_238 = arith.index_cast %mul3A_233 : i32 to index
      %get3A_239 = tpu.vector_load %arg10[%get3A_238] {strides = array<i32>} : memref<4096xf32, #tpu.memory_space<vmem>>, vector<16xf32>,
      %lt3A_240 = arith.constant 50048 : i32
      %lt3A_241 = vector.broadcast %lt3A_240 : i32 to vector<16xi32>
      %lt3A_242 = arith.cmpi slt, %get3A_237, %lt3A_241 : vector<16xi32>
      %min3A_243 = arith.constant 50047 : i32
      %min3A_244 = vector.broadcast %min3A_243 : i32 to vector<16xi32>
      %min3A_245 = arith.minsi %get3A_237, %min3A_244 : vector<16xi32>
      %sub3A_246 = arith.constant 50048 : i32
      %sub3A_247 = vector.broadcast %sub3A_246 : i32 to vector<16xi32>
      %sub3A_248 = arith.subi %get3A_237, %sub3A_247 : vector<16xi32>
      %max3A_249 = arith.constant 0 : i32
      %max3A_250 = vector.broadcast %max3A_249 : i32 to vector<16xi32>
      %max3A_251 = arith.maxsi %sub3A_248, %max3A_250 : vector<16xi32>
      %gather3A_252 = tpu.vector_load_idx %arg7[%min3A_245] masked %lt3A_242 : memref<50048xf32, #tpu.memory_space<vmem>>[vector<16xi32>], vector<16xf32>, vector<16xi1>
      %not3A_253 = arith.constant dense<true> : vector<16xi1>
      %not3A_254 = arith.xori %lt3A_242, %not3A_253 : vector<16xi1>
      %gather3A_255 = tpu.vector_load_idx %arg8[%max3A_251] masked %not3A_254 : memref<49952xf32, #tpu.memory_space<vmem>>[vector<16xi32>], vector<16xf32>, vector<16xi1>
      %select_n3A_256 = arith.select %lt3A_242, %gather3A_252, %gather3A_255 : vector<16xi1>, vector<16xf32>
      %sub3A_257 = arith.subf %get3A_239, %select_n3A_256 : vector<16xf32>
      %mul3A_258 = arith.mulf %sub3A_257, %sub3A_257 : vector<16xf32>
      %add3A_259 = arith.addf %add3A_227, %mul3A_258 : vector<16xf32>
      %mul3A_260 = arith.constant 4 : i32
      %mul3A_261 = arith.muli %scan3A_202, %mul3A_260 : i32
      %add3A_262 = arith.constant 2 : i32
      %add3A_263 = arith.addi %mul3A_261, %add3A_262 : i32
      %mul3A_264 = arith.constant 16 : i32
      %mul3A_265 = arith.muli %add3A_263, %mul3A_264 : i32
      %add3A_266 = arith.constant 12288 : i32
      %add3A_267 = arith.addi %add3A_266, %mul3A_265 : i32
      %get3A_268 = arith.index_cast %add3A_267 : i32 to index
      %get3A_269 = tpu.vector_load %arg6[%get3A_268] {strides = array<i32>} : memref<16384xi32, #tpu.memory_space<vmem>>, vector<16xi32>,
      %get3A_270 = arith.index_cast %mul3A_265 : i32 to index
      %get3A_271 = tpu.vector_load %arg10[%get3A_270] {strides = array<i32>} : memref<4096xf32, #tpu.memory_space<vmem>>, vector<16xf32>,
      %lt3A_272 = arith.constant 50048 : i32
      %lt3A_273 = vector.broadcast %lt3A_272 : i32 to vector<16xi32>
      %lt3A_274 = arith.cmpi slt, %get3A_269, %lt3A_273 : vector<16xi32>
      %min3A_275 = arith.constant 50047 : i32
      %min3A_276 = vector.broadcast %min3A_275 : i32 to vector<16xi32>
      %min3A_277 = arith.minsi %get3A_269, %min3A_276 : vector<16xi32>
      %sub3A_278 = arith.constant 50048 : i32
      %sub3A_279 = vector.broadcast %sub3A_278 : i32 to vector<16xi32>
      %sub3A_280 = arith.subi %get3A_269, %sub3A_279 : vector<16xi32>
      %max3A_281 = arith.constant 0 : i32
      %max3A_282 = vector.broadcast %max3A_281 : i32 to vector<16xi32>
      %max3A_283 = arith.maxsi %sub3A_280, %max3A_282 : vector<16xi32>
      %gather3A_284 = tpu.vector_load_idx %arg7[%min3A_277] masked %lt3A_274 : memref<50048xf32, #tpu.memory_space<vmem>>[vector<16xi32>], vector<16xf32>, vector<16xi1>
      %not3A_285 = arith.constant dense<true> : vector<16xi1>
      %not3A_286 = arith.xori %lt3A_274, %not3A_285 : vector<16xi1>
      %gather3A_287 = tpu.vector_load_idx %arg8[%max3A_283] masked %not3A_286 : memref<49952xf32, #tpu.memory_space<vmem>>[vector<16xi32>], vector<16xf32>, vector<16xi1>
      %select_n3A_288 = arith.select %lt3A_274, %gather3A_284, %gather3A_287 : vector<16xi1>, vector<16xf32>
      %sub3A_289 = arith.subf %get3A_271, %select_n3A_288 : vector<16xf32>
      %mul3A_290 = arith.mulf %sub3A_289, %sub3A_289 : vector<16xf32>
      %add3A_291 = arith.addf %add3A_259, %mul3A_290 : vector<16xf32>
      %mul3A_292 = arith.constant 4 : i32
      %mul3A_293 = arith.muli %scan3A_202, %mul3A_292 : i32
      %add3A_294 = arith.constant 3 : i32
      %add3A_295 = arith.addi %mul3A_293, %add3A_294 : i32
      %mul3A_296 = arith.constant 16 : i32
      %mul3A_297 = arith.muli %add3A_295, %mul3A_296 : i32
      %add3A_298 = arith.constant 12288 : i32
      %add3A_299 = arith.addi %add3A_298, %mul3A_297 : i32
      %get3A_300 = arith.index_cast %add3A_299 : i32 to index
      %get3A_301 = tpu.vector_load %arg6[%get3A_300] {strides = array<i32>} : memref<16384xi32, #tpu.memory_space<vmem>>, vector<16xi32>,
      %get3A_302 = arith.index_cast %mul3A_297 : i32 to index
      %get3A_303 = tpu.vector_load %arg10[%get3A_302] {strides = array<i32>} : memref<4096xf32, #tpu.memory_space<vmem>>, vector<16xf32>,
      %lt3A_304 = arith.constant 50048 : i32
      %lt3A_305 = vector.broadcast %lt3A_304 : i32 to vector<16xi32>
      %lt3A_306 = arith.cmpi slt, %get3A_301, %lt3A_305 : vector<16xi32>
      %min3A_307 = arith.constant 50047 : i32
      %min3A_308 = vector.broadcast %min3A_307 : i32 to vector<16xi32>
      %min3A_309 = arith.minsi %get3A_301, %min3A_308 : vector<16xi32>
      %sub3A_310 = arith.constant 50048 : i32
      %sub3A_311 = vector.broadcast %sub3A_310 : i32 to vector<16xi32>
      %sub3A_312 = arith.subi %get3A_301, %sub3A_311 : vector<16xi32>
      %max3A_313 = arith.constant 0 : i32
      %max3A_314 = vector.broadcast %max3A_313 : i32 to vector<16xi32>
      %max3A_315 = arith.maxsi %sub3A_312, %max3A_314 : vector<16xi32>
      %gather3A_316 = tpu.vector_load_idx %arg7[%min3A_309] masked %lt3A_306 : memref<50048xf32, #tpu.memory_space<vmem>>[vector<16xi32>], vector<16xf32>, vector<16xi1>
      %not3A_317 = arith.constant dense<true> : vector<16xi1>
      %not3A_318 = arith.xori %lt3A_306, %not3A_317 : vector<16xi1>
      %gather3A_319 = tpu.vector_load_idx %arg8[%max3A_315] masked %not3A_318 : memref<49952xf32, #tpu.memory_space<vmem>>[vector<16xi32>], vector<16xf32>, vector<16xi1>
      %select_n3A_320 = arith.select %lt3A_306, %gather3A_316, %gather3A_319 : vector<16xi1>, vector<16xf32>
      %sub3A_321 = arith.subf %get3A_303, %select_n3A_320 : vector<16xf32>
      %mul3A_322 = arith.mulf %sub3A_321, %sub3A_321 : vector<16xf32>
      %add3A_323 = arith.addf %add3A_291, %mul3A_322 : vector<16xf32>
      scf.yield %add3A_323 : vector<16xf32>
    }
    %scan3A_200 = arith.constant 64 : i32
    %swap3A = arith.constant 0 : index
    %swap3A_201 = tpu.vector_load %arg11[%swap3A] {strides = array<i32>} : memref<16xf32, #tpu.memory_space<vmem>>, vector<16xf32>,
    tpu.vector_store %arg11[%swap3A], %scan3A_199 {strides = array<i32>} : memref<16xf32, #tpu.memory_space<vmem>>, vector<16xf32>,
    "tpu.region"() ({
      %run_scoped3A = tpu.sem_alloc : memref<!tpu.dma_semaphore, #tpu.memory_space<semaphore_mem>>
      %dma_start3A_202 = arith.constant 0 : i32
      %dma_start3A_203 = tpu.memref_slice %arg5[%add3A, %dma_start3A_202] : memref<32x16xf32, #tpu.memory_space<hbm>> -> memref<1x16xf32, #tpu.memory_space<hbm>>
      %dma_start3A_204 = tpu.memref_squeeze %dma_start3A_203 : memref<1x16xf32, #tpu.memory_space<hbm>> -> memref<16xf32, #tpu.memory_space<hbm>>
      %dma_start3A_205 = arith.constant 0 : i32
      %dma_start3A_206 = tpu.memref_slice %arg5[%add3A, %dma_start3A_205] : memref<32x16xf32, #tpu.memory_space<hbm>> -> memref<1x16xf32, #tpu.memory_space<hbm>>
      %dma_start3A_207 = tpu.memref_squeeze %dma_start3A_206 : memref<1x16xf32, #tpu.memory_space<hbm>> -> memref<16xf32, #tpu.memory_space<hbm>>
      tpu.enqueue_dma source(%arg11 : memref<16xf32, #tpu.memory_space<vmem>>) target(%dma_start3A_207 : memref<16xf32, #tpu.memory_space<hbm>>) target_semaphore(%run_scoped3A : memref<!tpu.dma_semaphore, #tpu.memory_space<semaphore_mem>>)
      %dma_wait3A_208 = arith.constant 0 : i32
      %dma_wait3A_209 = tpu.memref_slice %arg5[%add3A, %dma_wait3A_208] : memref<32x16xf32, #tpu.memory_space<hbm>> -> memref<1x16xf32, #tpu.memory_space<hbm>>
      %dma_wait3A_210 = tpu.memref_squeeze %dma_wait3A_209 : memref<1x16xf32, #tpu.memory_space<hbm>> -> memref<16xf32, #tpu.memory_space<hbm>>
      %dma_wait3A_211 = arith.constant 0 : i32
      %dma_wait3A_212 = tpu.memref_slice %arg5[%add3A, %dma_wait3A_211] : memref<32x16xf32, #tpu.memory_space<hbm>> -> memref<1x16xf32, #tpu.memory_space<hbm>>
      %dma_wait3A_213 = tpu.memref_squeeze %dma_wait3A_212 : memref<1x16xf32, #tpu.memory_space<hbm>> -> memref<16xf32, #tpu.memory_space<hbm>>
      tpu.wait_dma2 semaphore(%run_scoped3A : memref<!tpu.dma_semaphore, #tpu.memory_space<semaphore_mem>>) src(%arg11 : memref<16xf32, #tpu.memory_space<vmem>>) dst(%dma_wait3A_213 : memref<16xf32, #tpu.memory_space<hbm>>)
      tpu.yield
    }) : () -> ()
    return
  }
}

</mosaic_0001>

<sc_bundles>
// kernel: kernel.3.cloned.1.call-start
scs
__scs_entry_jumppad:
0x0: {  	(pc) =	sbr.rel $0x88, $3  }
0x1: {  	(tag) =	ssettag $0x0;
	lr =	simm.s32 $0x1  }
0x2: {  	[smem:$0x3F9E] =	sst lr;
	_ =	strace $0xD0000000  }
0x3: {  	_ = 	snop  }
0x4: {  	_ = 	snop  }
0x5: {  	_ = 	snop  }
0x6: {  	_ = 	snop  }
0x7: {  	_ = 	snop  }
__scs_overlays_trampoline_lowered:
0x8: {  	[smem:$0x3FAD] =	sst s0  }
0x9: {  	[smem:$0x3FAE] =	sst s1  }
0xa: {  	[smem:$0x3FAF] =	sst s2  }
0xb: {  	[smem:$0x3FB0] =	sst s3  }
0xc: {  	[smem:$0x3FB1] =	sst s4  }
0xd: {  	[smem:$0x3FB2] =	sst s5  }
0xe: {  	[smem:$0x3FB3] =	sst s6  }
0xf: {  	[smem:$0x3FB4] =	sst s7  }
0x10: {  	[smem:$0x3FB5] =	sst s8  }
0x11: {  	[smem:$0x3FB6] =	sst s9;
	s0 =	simm.s32 @!p0 $0x0  }
0x12: {  	s1 =	sld [smem:$0x3F9C];
	s0 =	simm.s32 @p0 $0x1  }
0x13: {  	[smem:$0x3FB7] =	sst s0;
	s0 =	simm.s32 @!p1 $0x0  }
0x14: {  	s2 =	sld [smem:$0x3F9B];
	s0 =	simm.s32 @p1 $0x1  }
0x15: {  	[smem:$0x3FB8] =	sst s0;
	s0 =	simm.s32 @!p2 $0x0  }
0x16: {  	s3 =	sld [smem:$0x3FDB];
	s0 =	simm.s32 @p2 $0x1  }
0x17: {  	s4 =	simm.s32 $0x1BF5;
	[smem:$0x3FBA] =	sst s0  }
0x18: {  	s0 =	sld [smem:$0x3F9D];
	_ =	swait.ge [sflag:s4], $0x0  }
0x19: {  	s7 =	sld [smem:$0x3F9E]  }
0x1a: {  	s8 =	sadd.s32 $0xFFFFE003, lr  }
0x1b: {  	s9 =	sadd.s32 $0xFFFFFEF7, lr;
	s5 =	simm.s32 $0xFFFFFFFF;
	p2 =	slt.u32 s8, $0xFFFFF086  }
0x1c: {  	p1 =	slt.u32 s9, $0xF7A;
	s5 =	simm.s32 @!p2 $0x0  }
0x1d: {  	s5 =	simm.s32 @p1 $0x1;
	p0 =	seq.s32 s7, s2  }
0x1e: {  	s7 =	smul.u32 @!p0 $0xF7A, s2;
	p2 =	seq.s32 @!p0 s5, $0x0  }
0x1f: {  	s9 =	smul.u32 $0xF7A, s1;
	s8 =	simm.s32 @!p0 $0x1BF5;
	p2 =	por !p2, p0  }
0x20: {  	[sflag:s8] =	ssyncset.s32 @!p0 $0xFFFFF086;
	s6 =	sadd.s32 @!p0 s3, s7;
	s7 =	simm.s32 @!p0 $0x108  }
0x21: {  	s3 =	sadd.s32 s3, s9;
	s6 =	sadd.s32 @!p0 $0x88, s6;
	s7 =	simm.s32 @p2 $0x1082  }
0x22: {  	[simem:s7], [sflag:s8] =	dma.local @!p0 [hbm:s6], $0xF7A  }
0x23: {  	s9 =	sor.u32 $0xD0000000, s2;
	s6 =	simm.s32 $0x108;
	_ =	swait.ge @!p0 [sflag:s8], $0x0  }
0x24: {  	s3 =	sadd.s32 $0x88, s3;
	s6 =	simm.s32 @!p1 $0x1082;
	[sflag:s4] =	ssyncset.s32 $0xFFFFF086  }
0x25: {  	[simem:s6], [sflag:s4] =	dma.local [hbm:s3], $0xF7A  }
0x26: {  	[smem:$0x3F9E] =	sst s1;
	(tag) =	ssettag s2;
	_ =	strace s9  }
0x27: {  	s1 =	sld [smem:$0x3FAE]  }
0x28: {  	s2 =	sld [smem:$0x3FAF]  }
0x29: {  	s4 =	sld [smem:$0x3FB1]  }
0x2a: {  	p0 =	seq.s32 s5, $0x0;
	s5 =	sld [smem:$0x3FB2]  }
0x2b: {  	s6 =	sld [smem:$0x3FB3]  }
0x2c: {  	s7 =	sld [smem:$0x3FB4]  }
0x2d: {  	s3 =	simm.s32 $0x108;
	s8 =	sld [smem:$0x3FB5]  }
0x2e: {  	s3 =	simm.s32 @!p0 $0x1082;
	s9 =	sld [smem:$0x3FB6]  }
0x2f: {  	lr =	sadd.s32 s0, s3;
	s0 =	sld [smem:$0x3FAD]  }
0x30: {  	s3 =	sld [smem:$0x3FB0]  }
0x31: {  	[smem:$0x3FB9] =	sst s10  }
0x32: {  	s10 =	sld [smem:$0x3FB7];
	_ =	sdelay $0x3  }
0x33: {  	p0 =	seq.s32 s10, $0x1;
	s10 =	sld [smem:$0x3FB9];
	_ =	sdelay $0x3  }
0x34: {  	[smem:$0x3FB9] =	sst s10  }
0x35: {  	s10 =	sld [smem:$0x3FB8];
	_ =	sdelay $0x3  }
0x36: {  	p1 =	seq.s32 s10, $0x1;
	s10 =	sld [smem:$0x3FB9];
	_ =	sdelay $0x3  }
0x37: {  	[smem:$0x3FB9] =	sst s10  }
0x38: {  	s10 =	sld [smem:$0x3FBA]  }
0x39: {  	_ = 	snop;
	(pc) =	sbr.ind lr, $3  }
0x3a: {  	_ = 	snop  }
0x3b: {  	_ = 	snop  }
0x3c: {  	p2 =	seq.s32 s10, $0x1;
	s10 =	sld [smem:$0x3FB9]  }
0x3d: {  	_ =	shalt  }
0x3e: {  	_ =	shalt  }
0x3f: {  	_ =	shalt  }
0x40: {  	_ =	shalt  }
0x41: {  	_ =	shalt  }
0x42: {  	_ =	shalt  }
0x43: {  	_ =	shalt  }
0x44: {  	_ =	shalt  }
0x45: {  	_ =	shalt  }
0x46: {  	_ =	shalt  }
0x47: {  	_ =	shalt  }
0x48: {  	_ =	shalt  }
0x49: {  	_ =	shalt  }
0x4a: {  	_ =	shalt  }
0x4b: {  	_ =	shalt  }
0x4c: {  	_ =	shalt  }
0x4d: {  	_ =	shalt  }
0x4e: {  	_ =	shalt  }
0x4f: {  	_ =	shalt  }
0x50: {  	_ =	shalt  }
0x51: {  	_ =	shalt  }
0x52: {  	_ =	shalt  }
0x53: {  	_ =	shalt  }
0x54: {  	_ =	shalt  }
0x55: {  	_ =	shalt  }
0x56: {  	_ =	shalt  }
0x57: {  	_ =	shalt  }
0x58: {  	_ =	shalt  }
0x59: {  	_ =	shalt  }
0x5a: {  	_ =	shalt  }
0x5b: {  	_ =	shalt  }
0x5c: {  	_ =	shalt  }
0x5d: {  	_ =	shalt  }
0x5e: {  	_ =	shalt  }
0x5f: {  	_ =	shalt  }
0x60: {  	_ =	shalt  }
0x61: {  	_ =	shalt  }
0x62: {  	_ =	shalt  }
0x63: {  	_ =	shalt  }
0x64: {  	_ =	shalt  }
0x65: {  	_ =	shalt  }
0x66: {  	_ =	shalt  }
0x67: {  	_ =	shalt  }
0x68: {  	_ =	shalt  }
0x69: {  	_ =	shalt  }
0x6a: {  	_ =	shalt  }
0x6b: {  	_ =	shalt  }
0x6c: {  	_ =	shalt  }
0x6d: {  	_ =	shalt  }
0x6e: {  	_ =	shalt  }
0x6f: {  	_ =	shalt  }
0x70: {  	_ =	shalt  }
0x71: {  	_ =	shalt  }
0x72: {  	_ =	shalt  }
0x73: {  	_ =	shalt  }
0x74: {  	_ =	shalt  }
0x75: {  	_ =	shalt  }
0x76: {  	_ =	shalt  }
0x77: {  	_ =	shalt  }
0x78: {  	_ =	shalt  }
0x79: {  	_ =	shalt  }
0x7a: {  	_ =	shalt  }
0x7b: {  	_ =	shalt  }
0x7c: {  	_ =	shalt  }
0x7d: {  	_ =	shalt  }
0x7e: {  	_ =	shalt  }
0x7f: {  	_ =	shalt  }
0x80: {  	_ =	shalt  }
0x81: {  	_ =	shalt  }
0x82: {  	_ =	shalt  }
0x83: {  	_ =	shalt  }
0x84: {  	_ =	shalt  }
0x85: {  	_ =	shalt  }
0x86: {  	_ =	shalt  }
0x87: {  	_ =	shalt  }
.Lfunc_end0:
.L_simem_size_0:
called_computation_lowered:
.L_overlay_start_0:
0x88: {  	s2 =	sld [smem:$0x3FD9]  }
0x89: {  	s3 =	sld [smem:$0x3FFE];
	_ =	sdelay $0x1  }
0x8a: {  	s1 =	srdreg.scid  }
0x8b: {  	s0 =	sand.u32 $0x1, s1  }
0x8c: {  	s17 =	sshll.u32 s0, $0xA;
	s2 =	sadd.s32 s3, s2  }
0x8d: {  	s2 =	sadd.s32 s2, s17  }
0x8e: {  	[smem:$0x3FC5] =	sst s2  }
0x8f: {  	_ = 	snop  }
0x90: {  	s2 =	sld [smem:$0x3FC9]  }
0x91: {  	s18 =	sld [smem:$0x3FC8]  }
0x92: {  	s4 =	sld [smem:$0x3FC7];
	(tm) =	ssettm $0x1  }
0x93: {  	s5 =	sld [smem:$0x3FFB];
	_ =	sdelay $0x3  }
0x94: {  	_ =	strace s5  }
0x95: {  	s5 =	sld [smem:$0x3FFC];
	_ =	sdelay $0x3  }
0x96: {  	_ =	strace s5  }
0x97: {  	s5 =	sld [smem:$0x3FFD];
	_ =	sdelay $0x3  }
0x98: {  	_ =	strace s5  }
0x99: {  	_ =	strace $0x8FFFFFFF  }
0x9a: {  	s19 =	sld [smem:$0x3FDB];
	_ =	sdelay $0x1  }
0x9b: {  	s6 =	simm.s32 $_scs_section_size  }
0x9c: {  	s7 =	simm.s32 $_size__tile_overlayer_lowered;
	s8 =	simm.s32 $_tile_overlayer_lowered  }
0x9d: {  	s22 =	simm.s32 $0x1BFF;
	s21 =	sshll.u32 s8, $0x1;
	s5 =	sadd.s32 s6, s19  }
0x9e: {  	s9 =	simm.s32 $0x0;
	s20 =	sshll.u32 s7, $0x1;
	s7 =	sadd.s32 s21, s5  }
0x9f: {  	[timem:s9], [sflag:s22] =	dma.local [hbm:s7], s20  }
0xa0: {  	_ =	swait.ge [sflag:s22], s20  }
0xa1: {  	s6 =	ssub.s32 $0x0, s20;
	[sflag:s22] =	ssyncset.done $0x0  }
0xa2: {  	[sflag:s22] =	ssyncadd.s32 s6;
	_ =	sdelay $0x1  }
0xa3: {  	s23 =	simm.s32 $0x1B8B  }
0xa4: {  	_ =	swait.ge [sflag:s23], $0x1  }
0xa5: {  	[sflag:s23] =	ssyncset.done $0x0  }
0xa6: {  	s25 =	simm.s32 $0x1B8E;
	s24 =	sld [smem:$0x3FFE];
	[sflag:s23] =	ssyncadd.s32 $0xFFFFFFFF  }
0xa7: {  	s26 =	simm.s32 $execute0_lowered;
	[smem:$0x3FD2] =	sst s25  }
0xa8: {  	s7 =	sshll.u32 s26, $0x1;
	_ =	strace $0x80000046;
	[dreg:$0x1] =	wrdreg $0xFFFFFFFF  }
0xa9: {  	s28 =	simm.s32 $_size_execute0_lowered;
	s5 =	sadd.s32 s5, s7;
	[dreg:$0x0] =	wrdreg $0x0  }
0xaa: {  	s7 =	sshll.u32 s28, $0x1;
	[dreg:$0x2] =	wrdreg s5  }
0xab: {  	[dreg:$0x3] =	wrdreg s7  }
0xac: {  	[dreg:$0x4] =	wrdreg $0xC0  }
0xad: {  	_ =	task [dreg:s9], $0x5FFFF  }
0xae: {  	[dreg:$0x1] =	wrdreg $0xFFFFFFFF  }
0xaf: {  	[dreg:$0x0] =	wrdreg $0x60  }
0xb0: {  	[dreg:$0x2] =	wrdreg s2  }
0xb1: {  	[dreg:$0x3] =	wrdreg s18  }
0xb2: {  	[dreg:$0x4] =	wrdreg s4  }
0xb3: {  	[dreg:$0x5] =	wrdreg s24  }
0xb4: {  	[dreg:$0x6] =	wrdreg $0x9  }
0xb5: {  	_ =	task.clear_ibuf [dreg:s9], $0x7FFFF;
	_ =	strace $0x90000046  }
0xb6: {  	s29 =	simm.s32 $0x9;
	_ =	strace $0x80000048  }
0xb7: {  	_ =	swait.ge [sflag:s29], $0x1  }
0xb8: {  	[sflag:s29] =	ssyncadd.s32 $0xFFFFFFFF  }
0xb9: {  	_ =	strace $0x90000048  }
0xba: {  	_ =	sfence  }
0xbb: {  	s30 =	sld [smem:$0x0];
	_ =	sdelay $0x2  }
0xbc: {  	s31 =	sshll.u32 s1, $0xD;
	s1 =	sshrl.u32 s1, $0x2  }
0xbd: {  	s3 =	sand.u32 $0x4000, s31;
	s1 =	sadd.s32 s1, s30  }
0xbe: {  	s0 =	sor.u32 s3, s0;
	s1 =	sshll.u32 s1, $0x11  }
0xbf: {  	s0 =	sor.u32 s1, s0  }
0xc0: {  	s0 =	sadd.s32 $0x8F2B, s0  }
0xc1: {  	[sflag:s0] =	ssyncadd.remote.s32 $0x1  }
0xc2: {  	_ =	sfence.sel $0xFFFF  }
0xc3: {  	[dreg:$0x0] =	wrdreg $0xFFFFFFFF;
	(pc) =	sbr.abs _section_cstart, $3  }
0xc4: {  	[dreg:$0x1] =	wrdreg $0xFFFFFFFF  }
0xc5: {  	_ =	task.clear_ibuf [dreg:s9], $0x2FFFF;
	_ =	strace $0x9FFFFFFF  }
0xc6: {  	(tm) =	ssettm $0x7FFFFFFF  }
0xc7: {  	_ =	shalt  }
tec
execute0_lowered:
.L_overlay_start_1:
0x0: {  	(tag) =	ssettag $0x1  }
0x1: {  	s0 =	rddreg [dreg:$0x0]  }
0x2: {  	s1 =	rddreg [dreg:$0x2]  }
0x3: {  	s2 =	rddreg [dreg:$0x3]  }
0x4: {  	s4 =	srdreg.scid;
	s30 =	simm.s32 $0x0;
	s3 =	stileid.u32  }
0x5: {  	s28 =	simm.s32 $0x1D700;
	s29 =	simm.s32 $0x4;
	s31 =	simm.s32 $0x0  }
0x6: {  	s4 =	sand.u32 $0x1, s4;
	s12 =	sshrl.u32 s3, $0x2;
	s6 =	sshll.u32 s3, $0x8  }
0x7: {  	[smem:$0x7FF] =	sst s30;
	s13 =	sadd.s32 $0x1000, s0;
	s15 =	sadd.s32 $0x2000, s0  }
0x8: {  	s16 =	sadd.s32 $0x3000, s0;
	s5 =	ssub.s32 $0x2, s4;
	s4 =	sshll.u32 s4, $0x7  }
0x9: {  	s6 =	sand.u32 $0x300, s6;
	s7 =	smul.u32 $0xC3800, s12;
	_ =	strace $0x80000047  }
0xa: {  	s20 =	sshll.u32 s12, $0x11;
	s10 =	sor.u32 $0x4, s12;
	s25 =	sshll.u32 s12, $0xA  }
0xb: {  	s8 =	sshrl.u32 s5, $0x1;
	s14 =	sor.u32 s4, s6;
	s11 =	smul.u32 $0xC3800, s10  }
0xc: {  	s17 =	ssub.s32 s5, s8;
	s4 =	sor.u32 s7, s14;
	s22 =	sor.u32 s20, s14  }
0xd: {  	s26 =	sor.u32 s25, s14;
	s20 =	simm.s32 $0x4000;
	s25 =	simm.s32 $0x2  }
0xe: {  	s18 =	sshrl.u32 s4, $0x3;
	s19 =	sadd.s32 $0x61C00, s4;
	s9 =	sshrl.u32 s22, $0x3  }
0xf: {  	s11 =	sor.u32 s14, s11;
	s17 =	smax.u32 s17, $0x1;
	s22 =	simm.s32 $0x1C700  }
0x10: {  	s4 =	sadd.s32 s1, s18;
	s21 =	sshrl.u32 s19, $0x3;
	s6 =	sadd.s32 s0, s9  }
0x11: {  	s7 =	sadd.s32 s9, s13;
	s8 =	sadd.s32 s9, s15;
	s9 =	sadd.s32 s9, s16  }
0x12: {  	s18 =	sshrl.u32 s11, $0x3;
	s11 =	sadd.s32 $0x61C00, s11;
	s19 =	sshll.u32 s10, $0x11  }
0x13: {  	s5 =	sadd.s32 s1, s21;
	s10 =	sadd.s32 s1, s18;
	s11 =	sshrl.u32 s11, $0x3  }
0x14: {  	s23 =	sor.u32 s14, s19;
	s18 =	simm.s32 $0x80;
	s19 =	simm.s32 $0x400  }
0x15: {  	s21 =	simm.s32 $0x10380;
	s11 =	sadd.s32 s1, s11;
	s24 =	sshrl.u32 s23, $0x3  }
0x16: {  	s23 =	simm.s32 $0x5;
	s12 =	sadd.s32 s0, s24;
	s13 =	sadd.s32 s24, s13  }
0x17: {  	s14 =	sadd.s32 s24, s15;
	s15 =	sadd.s32 s24, s16;
	s0 =	sshrl.u32 s26, $0x3  }
0x18: {  	s24 =	simm.s32 $0x1;
	s26 =	simm.s32 $0x3;
	s16 =	sadd.s32 s2, s0  }
.LBB2_1:
0x19: {  	[tilespmem:s20], [sflag:$0x1] =	stream.strided.gather [hbm4b:s4+s18], $0xC380, s19, s18, $0x38;
	[tilespmem:$0x1E780] =	vst v63  }
0x1a: {  	_ = 	snop  }
0x1b: {  	[tilespmem:s21], [sflag:$0x2] =	stream.strided.gather [hbm4b:s5+s18], $0xC380, s19, s18, $0x38;
	[tilespmem:$0x1E780] =	vst v63  }
0x1c: {  	_ = 	snop  }
0x1d: {  	[tilespmem:s22], [sflag:$0x3] =	stream.strided.gather [hbm4b:s6+s18], $0x1000, s19, s18, $0x38;
	[tilespmem:$0x1E780] =	vst v63  }
0x1e: {  	s0 =	rddreg [dreg:$0x1]  }
0x1f: {  	[tilespmem:s30], [sflag:$0x5] =	stream.linear.gather [hbm4b:s0+s30], $0x4000, $0x38;
	[tilespmem:$0x1E780] =	vst v63  }
0x20: {  	_ =	swait.ge [sflag:s23], $0x4000  }
0x21: {  	[sflag:s23] =	ssyncset.done $0x0  }
0x22: {  	[sflag:s23] =	ssyncadd.s32 $0xFFFFC000  }
0x23: {  	_ =	swait.ge [sflag:s24], $0xC380  }
0x24: {  	[sflag:s24] =	ssyncset.done $0x0  }
0x25: {  	[sflag:s24] =	ssyncadd.s32 $0xFFFF3C80  }
0x26: {  	_ =	swait.ge [sflag:s25], $0xC380  }
0x27: {  	[sflag:s25] =	ssyncset.done $0x0  }
0x28: {  	[sflag:s25] =	ssyncadd.s32 $0xFFFF3C80  }
0x29: {  	_ =	swait.ge [sflag:s26], $0x1000  }
0x2a: {  	[sflag:s26] =	ssyncset.done $0x0  }
0x2b: {  	s1 =	simm.s32 $0x0;
	[sflag:s26] =	ssyncadd.s32 $0xFFFFF000  }
0x2c: {  	[tilespmem:s28], [sflag:$0x4] =	stream.strided.gather [hbm4b:s7+s18], $0x1000, s19, s18, $0x38;
	[tilespmem:$0x1E780] =	vst v63  }
0x2d: {  	v0 =	vld [tilespmem:s1+$0x0]  }
0x2e: {  	v1 =	vld [tilespmem:s1+$0x10];
	_ =	sdelay $0x3  }
0x2f: {  	v2 =	vld [tilespmem:s1+$0x20]  }
0x30: {  	vm0 =	vlt.s32 v0, $0xC380;
	vm1 =	vlt.s32 v0, $0xC37F;
	vm2 =	vlt.s32 v1, $0xC380  }
0x31: {  	v4 =	vadd.s32 $0xFFFF3C80, v1;
	v3 =	vnsel vm1, $0xC37F, v0;
	vm1 =	vlt.s32 v1, $0xC37F  }
0x32: {  	v14 =	vld [tilespmem:s1+$0x1C710];
	vm3 =	vgt.s32 v4, $0x0;
	v5 =	vnsel vm1, $0xC37F, v1;
	vm1 =	vge.s32 v1, $0xC380  }
0x33: {  	v11 =	vld [tilespmem:s1+$0x1C700];
	v6 =	vadd.s32 $0xFFFF3C80, v0;
	v4 =	vnsel vm3, $0x0, v4  }
0x34: {  	s0 =	simm.s32 $0x40;
	vm5 =	vlt.s32 v2, $0xC380;
	vm4 =	vgt.s32 v6, $0x0;
	v1 =	vld [tilespmem:s1+$0x30];
	vm3 =	vge.s32 v0, $0xC380  }
0x35: {  	v12 =	vld [tilespmem:s0+$0x10];
	v0 =	vadd.s32 $0xFFFF3C80, v2;
	v6 =	vnsel vm4, $0x0, v6;
	vm4 =	vlt.s32 v2, $0xC37F  }
0x36: {  	vm6 =	vge.s32 v2, $0xC380;
	vm7 =	vgt.s32 v0, $0x0;
	v2 =	vnsel vm4, $0xC37F, v2;
	v3 =	vld.idx.msk [tilespmem:v3+s20+$0x0], vm0  }
0x37: {  	v7 =	vnsel vm7, $0x0, v0;
	v5 =	vld.idx.msk [tilespmem:v5+s20+$0x0], vm2  }
0x38: {  	v8 =	vld.idx.msk [tilespmem:v4+s21+$0x0], vm1  }
0x39: {  	v0 =	vadd.s32 $0xFFFF3C80, v1;
	v4 =	vld [tilespmem:s0+$0x0]  }
0x3a: {  	v18 =	vadd.s32 $0xFFFF3C80, v12;
	vm4 =	vge.s32 v1, $0xC380;
	vm1 =	vgt.s32 v0, $0x0;
	v6 =	vld.idx.msk [tilespmem:v6+s21+$0x0], vm3  }
0x3b: {  	vm8 =	vmmov vm0;
	vm9 =	vmmov vm2;
	v16 =	vld.idx.msk [tilespmem:v2+s20+$0x0], vm5;
	v9 =	vnsel vm1, $0x0, v0  }
0x3c: {  	vm7 =	vmmov vm5;
	vm3 =	vlt.s32 v1, $0xC37F;
	vm1 =	vlt.s32 v1, $0xC380;
	v17 =	vld.idx.msk [tilespmem:v7+s21+$0x0], vm6  }
0x3d: {  	vm5 =	vlt.s32 v12, $0xC37F;
	v0 =	vimm.f32 $0.0e+00;
	v1 =	vnsel vm3, $0xC37F, v1;
	v7 =	vld [tilespmem:s0+$0x20]  }
0x3e: {  	v2 =	vld [tilespmem:s0+$0x30];
	v10 =	vnsel vm5, $0xC37F, v12;
	vm6 =	vge.s32 v12, $0xC380;
	vm0 =	vlt.s32 v4, $0xC380  }
0x3f: {  	vm2 =	vlt.s32 v4, $0xC37F;
	vm3 =	vge.s32 v4, $0xC380;
	v3 =	vsel vm8, v3, v6;
	v6 =	vld [tilespmem:s1+$0x1C730]  }
0x40: {  	v13 =	vadd.s32 $0xFFFF3C80, v4;
	v15 =	vnsel vm2, $0xC37F, v4;
	v4 =	vld.idx.msk [tilespmem:v9+s21+$0x0], vm4;
	vm2 =	vlt.s32 v12, $0xC380  }
0x41: {  	v19 =	vsel vm9, v5, v8;
	vm10 =	vgt.s32 v13, $0x0;
	v9 =	vld [tilespmem:s1+$0x1C720];
	vm4 =	vgt.s32 v18, $0x0  }
0x42: {  	vm5 =	vge.s32 v7, $0xC380;
	v8 =	vld.idx.msk [tilespmem:v1+s20+$0x0], vm1;
	v12 =	vnsel vm4, $0x0, v18;
	v1 =	vadd.s32 $0xFFFF3C80, v7  }
0x43: {  	v5 =	vld [tilespmem:s0+$0x1C710];
	v14 =	vsub.f32 v14, v19;
	v18 =	vsub.f32 v11, v3;
	vm8 =	vgt.s32 v1, $0x0  }
0x44: {  	v16 =	vsel vm7, v16, v17;
	vm4 =	vlt.s32 v7, $0xC380;
	v11 =	vnsel vm8, $0x0, v1;
	v1 =	vld [tilespmem:s0+$0x1C700]  }
0x45: {  	s1 =	simm.s32 $0x200;
	v13 =	vnsel vm10, $0x0, v13;
	vm8 =	vlt.s32 v7, $0xC37F;
	v3 =	vld.idx.msk [tilespmem:v15+s20+$0x0], vm0;
	v15 =	vmul.f32 v18, v18  }
.LBB2_2:
0x46: {  	s2 =	sshra.s32 s1, $0x2;
	p0 =	sne.s32 s1, $0x3F00;
	s1 =	sadd.s32 $0x100, s1;
	v17 =	vld.idx.msk [tilespmem:v10+s20+$0x0], vm2;
	v7 =	vnsel vm8, $0xC37F, v7;
	v10 =	vmul.f32 v14, v14;
	v9 =	vsub.f32 v9, v16  }
0x47: {  	v14 =	vadd.s32 $0xFFFF3C80, v2;
	v12 =	vld.idx.msk [tilespmem:v12+s21+$0x0], vm6;
	vm6 =	vge.s32 v2, $0xC380;
	v0 =	vadd.f32 v15, v0  }
0x48: {  	v4 =	vsel vm1, v8, v4;
	vm7 =	vgt.s32 v14, $0x0;
	v15 =	vld [tilespmem:s2+$0x0];
	v9 =	vmul.f32 v9, v9;
	v16 =	vmovc v5  }
0x49: {  	v4 =	vsub.f32 v6, v4;
	v8 =	vnsel vm7, $0x0, v14;
	v5 =	vld [tilespmem:s2+$0x10];
	v0 =	vadd.f32 v10, v0  }
0x4a: {  	vm9 =	vmmov vm0;
	vm8 =	vmmov vm2;
	v6 =	vld.idx.msk [tilespmem:v13+s21+$0x0], vm3;
	vm3 =	vlt.s32 v2, $0xC37F  }
0x4b: {  	vm1 =	vlt.s32 v2, $0xC380;
	v4 =	vmul.f32 v4, v4;
	v18 =	vld.idx.msk [tilespmem:v7+s20+$0x0], vm4;
	v0 =	vadd.f32 v9, v0  }
0x4c: {  	vm7 =	vmmov vm4;
	v19 =	vld.idx.msk [tilespmem:v11+s21+$0x0], vm5;
	v11 =	vnsel vm3, $0xC37F, v2  }
0x4d: {  	vm0 =	vlt.s32 v15, $0xC380;
	vm2 =	vlt.s32 v15, $0xC37F;
	v7 =	vld [tilespmem:s2+$0x20];
	v0 =	vadd.f32 v4, v0  }
0x4e: {  	vm3 =	vge.s32 v15, $0xC380;
	v13 =	vadd.s32 $0xFFFF3C80, v15;
	vm4 =	vlt.s32 v5, $0xC37F;
	v2 =	vld [tilespmem:s2+$0x30]  }
0x4f: {  	v14 =	vnsel vm2, $0xC37F, v15;
	vm10 =	vgt.s32 v13, $0x0;
	v10 =	vnsel vm4, $0xC37F, v5;
	v4 =	vld.idx.msk [tilespmem:v8+s21+$0x0], vm6  }
0x50: {  	vm2 =	vlt.s32 v5, $0xC380;
	v15 =	vadd.s32 $0xFFFF3C80, v5;
	v3 =	vsel vm9, v3, v6;
	v9 =	vld [tilespmem:s0+$0x1C720]  }
.Ltmp0:
0x51: {  	v17 =	vsel vm8, v17, v12;
	vm6 =	vge.s32 v5, $0xC380;
	vm4 =	vgt.s32 v15, $0x0;
	v8 =	vld.idx.msk [tilespmem:v11+s20+$0x0], vm1;
	(pc) =	sbr.rel @p0 .LBB2_2-.Ltmp0, $4  }
0x52: {  	v12 =	vnsel vm4, $0x0, v15;
	vm5 =	vge.s32 v7, $0xC380;
	v11 =	vadd.s32 $0xFFFF3C80, v7;
	v6 =	vld [tilespmem:s0+$0x1C730];
	s0 =	smov.u32 s2  }
0x53: {  	v15 =	vsub.f32 v1, v3;
	vm4 =	vlt.s32 v7, $0xC380;
	v5 =	vld [tilespmem:s0+$0x1C710];
	vm8 =	vgt.s32 v11, $0x0  }
0x54: {  	v13 =	vnsel vm10, $0x0, v13;
	v3 =	vld.idx.msk [tilespmem:v14+s20+$0x0], vm0;
	v11 =	vnsel vm8, $0x0, v11;
	v14 =	vsub.f32 v16, v17  }
0x55: {  	v15 =	vmul.f32 v15, v15;
	vm8 =	vlt.s32 v7, $0xC37F;
	v16 =	vsel vm7, v18, v19;
	v1 =	vld [tilespmem:s0+$0x1C700]  }
0x56: {  	_ =	sdelay $0x4  }
0x57: {  	v7 =	vnsel vm8, $0xC37F, v7;
	v12 =	vld.idx.msk [tilespmem:v12+s21+$0x0], vm6  }
0x58: {  	v17 =	vadd.s32 $0xFFFF3C80, v2;
	v13 =	vld.idx.msk [tilespmem:v13+s21+$0x0], vm3;
	vm6 =	vlt.s32 v2, $0xC37F;
	vm3 =	vlt.s32 v2, $0xC380  }
0x59: {  	vm7 =	vge.s32 v2, $0xC380;
	v10 =	vld.idx.msk [tilespmem:v10+s20+$0x0], vm2;
	vm15 =	vgt.s32 v17, $0x0;
	v2 =	vnsel vm6, $0xC37F, v2  }
0x5a: {  	v11 =	vld.idx.msk [tilespmem:v11+s21+$0x0], vm5;
	v17 =	vnsel vm15, $0x0, v17  }
0x5b: {  	v18 =	vld [tilespmem:s0+$0x1C720]  }
0x5c: {  	v19 =	vld [tilespmem:s0+$0x1C730]  }
0x5d: {  	v9 =	vsub.f32 v9, v16;
	v14 =	vmul.f32 v14, v14;
	v0 =	vadd.f32 v15, v0;
	v7 =	vld.idx.msk [tilespmem:v7+s20+$0x0], vm4  }
0x5e: {  	v4 =	vsel vm1, v8, v4;
	vm0 =	vmmov vm0;
	v2 =	vld.idx.msk [tilespmem:v2+s20+$0x0], vm3  }
0x5f: {  	v4 =	vsub.f32 v6, v4;
	v8 =	vmul.f32 v9, v9;
	v0 =	vadd.f32 v14, v0;
	v17 =	vld.idx.msk [tilespmem:v17+s21+$0x0], vm7;
	_ =	swait.ge [sflag:s29], $0x1000  }
0x60: {  	s1 =	simm.s32 $0x0;
	vm1 =	vmmov vm2;
	v3 =	vsel vm0, v3, v13;
	[sflag:s29] =	ssyncset.done $0x0  }
0x61: {  	s0 =	sand.u32 $0xFC0, s1;
	v4 =	vmul.f32 v4, v4;
	v0 =	vadd.f32 v8, v0;
	v1 =	vsub.f32 v1, v3;
	[sflag:s29] =	ssyncadd.s32 $0xFFFFF000  }
0x62: {  	vm2 =	vmmov vm4;
	v8 =	vsel vm1, v10, v12;
	[tilespmem:s22], [sflag:$0x3] =	stream.strided.gather [hbm4b:s8+s18], $0x1000, s19, s18, $0x38;
	[tilespmem:$0x1E780] =	vst v63  }
0x63: {  	v0 =	vadd.f32 v4, v0;
	v4 =	vsub.f32 v5, v8;
	v1 =	vmul.f32 v1, v1;
	v6 =	vld [tilespmem:s0+$0x1000]  }
0x64: {  	s2 =	simm.s32 $0x1030;
	v7 =	vsel vm2, v7, v11  }
0x65: {  	v4 =	vmul.f32 v4, v4;
	v0 =	vadd.f32 v1, v0;
	v3 =	vld [tilespmem:s2+$0xFFFFFFE0];
	v7 =	vsub.f32 v18, v7;
	_ =	sdelay $0x1  }
0x66: {  	v0 =	vadd.f32 v4, v0;
	v7 =	vmul.f32 v7, v7  }
0x67: {  	s1 =	simm.s32 $0x1D720;
	v8 =	vld [tilespmem:s2+$0xFFFFFFF0];
	vm0 =	vlt.s32 v6, $0xC380;
	v5 =	vadd.s32 $0xFFFF3C80, v6;
	vm1 =	vlt.s32 v6, $0xC37F  }
0x68: {  	s3 =	simm.s32 $0x40;
	v10 =	vld [tilespmem:s1+$0xFFFFFFE0];
	vm4 =	vge.s32 v6, $0xC380;
	vm5 =	vgt.s32 v5, $0x0;
	v6 =	vnsel vm1, $0xC37F, v6  }
0x69: {  	v11 =	vld [tilespmem:s1+$0x0];
	s0 =	sand.u32 $0xFC0, s3;
	v9 =	vadd.s32 $0xFFFF3C80, v3;
	v5 =	vnsel vm5, $0x0, v5  }
0x6a: {  	v2 =	vsel vm3, v2, v17;
	v0 =	vadd.f32 v7, v0;
	v7 =	vld [tilespmem:s0+$0x1000];
	vm1 =	vgt.s32 v9, $0x0  }
0x6b: {  	v2 =	vsub.f32 v19, v2;
	s0 =	simm.s32 $0x1070;
	vm5 =	vge.s32 v3, $0xC380;
	v1 =	vnsel vm1, $0x0, v9;
	v9 =	vld [tilespmem:s2+$0x0]  }
0x6c: {  	vm2 =	vlt.s32 v3, $0xC37F;
	v12 =	vadd.s32 $0xFFFF3C80, v8;
	v15 =	vld [tilespmem:s0+$0xFFFFFFE0];
	vm1 =	vlt.s32 v3, $0xC380  }
0x6d: {  	vm6 =	vlt.s32 v8, $0xC37F;
	v3 =	vnsel vm2, $0xC37F, v3;
	vm2 =	vlt.s32 v8, $0xC380;
	v6 =	vld.idx.msk [tilespmem:v6+s20+$0x0], vm0  }
0x6e: {  	vm3 =	vge.s32 v8, $0xC380;
	v8 =	vnsel vm6, $0xC37F, v8;
	v4 =	vld.idx.msk [tilespmem:v5+s21+$0x0], vm4;
	vm4 =	vgt.s32 v12, $0x0  }
0x6f: {  	v60 =	vld [tilespmem:s0+$0xFFFFFFF0];
	v12 =	vnsel vm4, $0x0, v12  }
0x70: {  	v2 =	vmul.f32 v2, v2;
	v5 =	vld [tilespmem:s1+$0xFFFFFFF0];
	vm7 =	vlt.s32 v9, $0xC37F;
	vm4 =	vlt.s32 v9, $0xC380  }
0x71: {  	v13 =	vld.idx.msk [tilespmem:v1+s21+$0x0], vm5;
	v1 =	vadd.s32 $0xFFFF3C80, v9;
	vm5 =	vge.s32 v9, $0xC380;
	v9 =	vnsel vm7, $0xC37F, v9  }
0x72: {  	v2 =	vadd.f32 v2, v0;
	v3 =	vld.idx.msk [tilespmem:v3+s20+$0x0], vm1;
	vm6 =	vgt.s32 v1, $0x0  }
0x73: {  	v8 =	vld.idx.msk [tilespmem:v8+s20+$0x0], vm2;
	v14 =	vnsel vm6, $0x0, v1;
	vm6 =	vge.s32 v7, $0xC380;
	v1 =	vsel vm0, v6, v4  }
0x74: {  	s2 =	simm.s32 $0x1D760;
	v4 =	vadd.s32 $0xFFFF3C80, v7;
	v12 =	vld.idx.msk [tilespmem:v12+s21+$0x0], vm3;
	v0 =	vsub.f32 v10, v1;
	vm3 =	vlt.s32 v7, $0xC37F  }
0x75: {  	vm0 =	vlt.s32 v7, $0xC380;
	v1 =	vld [tilespmem:s2+$0xFFFFFFE0];
	vm7 =	vgt.s32 v4, $0x0;
	v7 =	vnsel vm3, $0xC37F, v7  }
0x76: {  	v62 =	vnsel vm7, $0x0, v4;
	vm3 =	vge.s32 v15, $0xC380;
	v63 =	vld.idx.msk [tilespmem:v9+s20+$0x0], vm4;
	v61 =	vmul.f32 v0, v0  }
0x77: {  	v4 =	vld [tilespmem:s1+$0x10];
	v0 =	vsel vm1, v3, v13;
	v3 =	vadd.s32 $0xFFFF3C80, v15;
	vm1 =	vlt.s32 v15, $0xC380  }
0x78: {  	v13 =	vld.idx.msk [tilespmem:v14+s21+$0x0], vm5;
	vm5 =	vlt.s32 v15, $0xC37F;
	v14 =	vsub.f32 v5, v0;
	vm7 =	vgt.s32 v3, $0x0  }
0x79: {  	v6 =	vnsel vm5, $0xC37F, v15;
	v5 =	vld [tilespmem:s0+$0x0];
	vm5 =	vge.s32 v60, $0xC380;
	v10 =	vnsel vm7, $0x0, v3  }
0x7a: {  	v0 =	vld [tilespmem:s2+$0x0];
	v2 =	vadd.f32 v61, v2;
	v3 =	vsel vm2, v8, v12;
	v9 =	vmul.f32 v14, v14  }
0x7b: {  	vm2 =	vlt.s32 v60, $0xC380;
	v12 =	vadd.s32 $0xFFFF3C80, v60;
	v8 =	vsub.f32 v11, v3;
	v3 =	vld.idx.msk [tilespmem:v7+s20+$0x0], vm0  }
0x7c: {  	v7 =	vld.idx.msk [tilespmem:v62+s21+$0x0], vm6;
	vm6 =	vlt.s32 v60, $0xC37F;
	vm7 =	vgt.s32 v12, $0x0;
	v9 =	vadd.f32 v9, v2  }
0x7d: {  	s30 =	simm.s32 $0x80;
	s1 =	simm.s32 $0x1D760;
	v2 =	vld [tilespmem:s2+$0xFFFFFFF0];
	v11 =	vnsel vm6, $0xC37F, v60;
	v12 =	vnsel vm7, $0x0, v12;
	v13 =	vsel vm4, v63, v13  }
.LBB2_4:
0x7e: {  	s3 =	sand.u32 $0xFC0, s30;
	p0 =	sne.s32 s30, $0xFC0;
	s30 =	sadd.s32 $0x40, s30;
	v10 =	vld.idx.msk [tilespmem:v10+s21+$0x0], vm3;
	vm3 =	vge.s32 v5, $0xC380;
	v14 =	vadd.s32 $0xFFFF3C80, v5;
	v4 =	vsub.f32 v4, v13  }
0x7f: {  	vm4 =	vlt.s32 v5, $0xC380;
	v8 =	vmul.f32 v8, v8;
	v13 =	vld [tilespmem:s3+$0x1000];
	vm6 =	vgt.s32 v14, $0x0  }
0x80: {  	vm7 =	vlt.s32 v5, $0xC37F;
	s0 =	sadd.s32 $0x40, s0;
	v6 =	vld.idx.msk [tilespmem:v6+s20+$0x0], vm1;
	v14 =	vnsel vm6, $0x0, v14  }
0x81: {  	v5 =	vnsel vm7, $0xC37F, v5;
	v8 =	vadd.f32 v8, v9;
	v4 =	vmul.f32 v4, v4;
	v15 =	vld [tilespmem:s0+$0xFFFFFFE0]  }
0x82: {  	v3 =	vsel vm0, v3, v7;
	v7 =	vld.idx.msk [tilespmem:v12+s21+$0x0], vm5  }
0x83: {  	s2 =	sadd.s32 $0x40, s2;
	v3 =	vsub.f32 v1, v3;
	v8 =	vadd.f32 v4, v8;
	v9 =	vld.idx.msk [tilespmem:v11+s20+$0x0], vm2  }
0x84: {  	v1 =	vld [tilespmem:s2+$0xFFFFFFE0];
	vm6 =	vge.s32 v13, $0xC380;
	vm0 =	vlt.s32 v13, $0xC380;
	v4 =	vadd.s32 $0xFFFF3C80, v13  }
0x85: {  	vm5 =	vlt.s32 v13, $0xC37F;
	v3 =	vmul.f32 v3, v3;
	vm7 =	vgt.s32 v4, $0x0;
	v11 =	vld [tilespmem:s0+$0xFFFFFFF0]  }
0x86: {  	v12 =	vnsel vm5, $0xC37F, v13;
	v13 =	vnsel vm7, $0x0, v4;
	v4 =	vsel vm1, v6, v10;
	v14 =	vld.idx.msk [tilespmem:v14+s21+$0x0], vm3  }
0x87: {  	vm3 =	vge.s32 v15, $0xC380;
	v10 =	vadd.s32 $0xFFFF3C80, v15;
	v2 =	vsub.f32 v2, v4;
	v16 =	vld.idx.msk [tilespmem:v5+s20+$0x0], vm4  }
0x88: {  	vm1 =	vlt.s32 v15, $0xC380;
	vm5 =	vlt.s32 v15, $0xC37F;
	vm7 =	vgt.s32 v10, $0x0;
	v4 =	vld [tilespmem:s1+$0x10];
	s1 =	smov.u32 s2  }
.Ltmp1:
0x89: {  	v6 =	vnsel vm5, $0xC37F, v15;
	v10 =	vnsel vm7, $0x0, v10;
	v7 =	vsel vm2, v9, v7;
	v5 =	vld [tilespmem:s0+$0x0];
	(pc) =	sbr.rel @p0 .LBB2_4-.Ltmp1, $4  }
0x8a: {  	v9 =	vadd.f32 v3, v8;
	v2 =	vmul.f32 v2, v2;
	v8 =	vsub.f32 v0, v7;
	v0 =	vld [tilespmem:s2+$0x0]  }
0x8b: {  	vm5 =	vge.s32 v11, $0xC380;
	vm2 =	vlt.s32 v11, $0xC380;
	v3 =	vld.idx.msk [tilespmem:v12+s20+$0x0], vm0;
	v12 =	vadd.s32 $0xFFFF3C80, v11  }
0x8c: {  	v9 =	vadd.f32 v2, v9;
	v7 =	vld.idx.msk [tilespmem:v13+s21+$0x0], vm6;
	vm6 =	vlt.s32 v11, $0xC37F;
	vm7 =	vgt.s32 v12, $0x0  }
0x8d: {  	v13 =	vsel vm4, v16, v14;
	v2 =	vld [tilespmem:s2+$0xFFFFFFF0];
	v11 =	vnsel vm6, $0xC37F, v11;
	v12 =	vnsel vm7, $0x0, v12  }
0x8e: {  	_ =	sdelay $0x2  }
0x8f: {  	v14 =	vadd.s32 $0xFFFF3C80, v5  }
0x90: {  	vm6 =	vge.s32 v5, $0xC380;
	vm7 =	vgt.s32 v14, $0x0  }
0x91: {  	vm4 =	vlt.s32 v5, $0xC380;
	v10 =	vld.idx.msk [tilespmem:v10+s21+$0x0], vm3;
	v14 =	vnsel vm7, $0x0, v14;
	vm7 =	vlt.s32 v5, $0xC37F  }
0x92: {  	v6 =	vld.idx.msk [tilespmem:v6+s20+$0x0], vm1;
	v5 =	vnsel vm7, $0xC37F, v5  }
0x93: {  	v12 =	vld.idx.msk [tilespmem:v12+s21+$0x0], vm5  }
0x94: {  	v11 =	vld.idx.msk [tilespmem:v11+s20+$0x0], vm2  }
0x95: {  	v15 =	vld [tilespmem:s1+$0x10]  }
0x96: {  	v14 =	vld.idx.msk [tilespmem:v14+s21+$0x0], vm6  }
0x97: {  	v5 =	vld.idx.msk [tilespmem:v5+s20+$0x0], vm4;
	_ =	swait.ge [sflag:s26], $0x1000  }
0x98: {  	s0 =	simm.s32 $0x0;
	[sflag:s26] =	ssyncset.done $0x0  }
0x99: {  	v4 =	vsub.f32 v4, v13;
	v8 =	vmul.f32 v8, v8;
	s0 =	sand.u32 $0xFC0, s0;
	[sflag:s26] =	ssyncadd.s32 $0xFFFFF000  }
0x9a: {  	v3 =	vsel vm0, v3, v7;
	[tilespmem:s28], [sflag:$0x4] =	stream.strided.gather [hbm4b:s9+s18], $0x1000, s19, s18, $0x38;
	[tilespmem:$0x1E780] =	vst v63  }
0x9b: {  	v8 =	vadd.f32 v8, v9;
	v4 =	vmul.f32 v4, v4;
	v1 =	vsub.f32 v1, v3;
	v13 =	vld [tilespmem:s0+$0x2000]  }
0x9c: {  	s2 =	simm.s32 $0x2030;
	v6 =	vsel vm1, v6, v10  }
0x9d: {  	v4 =	vadd.f32 v4, v8;
	v1 =	vmul.f32 v1, v1;
	v2 =	vsub.f32 v2, v6;
	v3 =	vld [tilespmem:s2+$0xFFFFFFE0]  }
0x9e: {  	v6 =	vsel vm2, v11, v12  }
0x9f: {  	v0 =	vsub.f32 v0, v6;
	v1 =	vadd.f32 v1, v4;
	v2 =	vmul.f32 v2, v2  }
0xa0: {  	s1 =	simm.s32 $0x1C720;
	v8 =	vld [tilespmem:s2+$0xFFFFFFF0];
	vm0 =	vlt.s32 v13, $0xC380;
	v7 =	vadd.s32 $0xFFFF3C80, v13;
	vm1 =	vlt.s32 v13, $0xC37F  }
0xa1: {  	v10 =	vld [tilespmem:s1+$0xFFFFFFE0];
	vm2 =	vge.s32 v13, $0xC380;
	vm3 =	vgt.s32 v7, $0x0;
	v9 =	vnsel vm1, $0xC37F, v13  }
0xa2: {  	v1 =	vadd.f32 v2, v1;
	v2 =	vld [tilespmem:s1+$0x0];
	v4 =	vnsel vm3, $0x0, v7;
	v7 =	vadd.s32 $0xFFFF3C80, v3  }
0xa3: {  	s3 =	simm.s32 $0x40;
	v0 =	vmul.f32 v0, v0;
	v12 =	vld [tilespmem:s1+$0xFFFFFFF0];
	vm1 =	vgt.s32 v7, $0x0  }
0xa4: {  	s0 =	sand.u32 $0xFC0, s3;
	v5 =	vsel vm4, v5, v14;
	vm3 =	vge.s32 v3, $0xC380;
	v6 =	vnsel vm1, $0x0, v7;
	v7 =	vld [tilespmem:s2+$0x0]  }
0xa5: {  	vm5 =	vlt.s32 v3, $0xC37F;
	v11 =	vadd.s32 $0xFFFF3C80, v8;
	v13 =	vld [tilespmem:s0+$0x2000];
	vm1 =	vlt.s32 v3, $0xC380  }
0xa6: {  	vm4 =	vgt.s32 v11, $0x0;
	v3 =	vnsel vm5, $0xC37F, v3;
	vm5 =	vge.s32 v8, $0xC380;
	v9 =	vld.idx.msk [tilespmem:v9+s20+$0x0], vm0  }
0xa7: {  	v5 =	vsub.f32 v15, v5;
	s0 =	simm.s32 $0x2070;
	v11 =	vnsel vm4, $0x0, v11;
	v4 =	vld.idx.msk [tilespmem:v4+s21+$0x0], vm2  }
0xa8: {  	v0 =	vadd.f32 v0, v1;
	vm6 =	vlt.s32 v8, $0xC37F;
	v15 =	vld [tilespmem:s0+$0xFFFFFFE0];
	vm2 =	vlt.s32 v8, $0xC380  }
0xa9: {  	v5 =	vmul.f32 v5, v5;
	v16 =	vld [tilespmem:s0+$0xFFFFFFF0];
	v8 =	vnsel vm6, $0xC37F, v8;
	v1 =	vadd.s32 $0xFFFF3C80, v7  }
0xaa: {  	v6 =	vld.idx.msk [tilespmem:v6+s21+$0x0], vm3;
	vm4 =	vlt.s32 v7, $0xC380;
	vm7 =	vlt.s32 v7, $0xC37F;
	vm6 =	vgt.s32 v1, $0x0  }
0xab: {  	vm3 =	vge.s32 v7, $0xC380;
	v3 =	vld.idx.msk [tilespmem:v3+s20+$0x0], vm1;
	v7 =	vnsel vm7, $0xC37F, v7;
	v14 =	vnsel vm6, $0x0, v1  }
0xac: {  	vm6 =	vge.s32 v13, $0xC380;
	v1 =	vsel vm0, v9, v4;
	v9 =	vld.idx.msk [tilespmem:v11+s21+$0x0], vm5;
	v11 =	vadd.f32 v5, v0  }
0xad: {  	v4 =	vadd.s32 $0xFFFF3C80, v13;
	vm5 =	vlt.s32 v13, $0xC37F;
	v5 =	vld [tilespmem:s0+$0x0];
	v0 =	vsub.f32 v10, v1  }
0xae: {  	s2 =	simm.s32 $0x1C760;
	vm0 =	vlt.s32 v13, $0xC380;
	v8 =	vld.idx.msk [tilespmem:v8+s20+$0x0], vm2;
	vm7 =	vgt.s32 v4, $0x0;
	v13 =	vnsel vm5, $0xC37F, v13  }
0xaf: {  	v1 =	vld [tilespmem:s2+$0xFFFFFFE0];
	vm5 =	vlt.s32 v15, $0xC37F;
	v18 =	vnsel vm7, $0x0, v4;
	v17 =	vmul.f32 v0, v0  }
0xb0: {  	v0 =	vsel vm1, v3, v6;
	v3 =	vadd.s32 $0xFFFF3C80, v15;
	v19 =	vld.idx.msk [tilespmem:v7+s20+$0x0], vm4;
	vm1 =	vlt.s32 v15, $0xC380  }
0xb1: {  	v14 =	vld.idx.msk [tilespmem:v14+s21+$0x0], vm3;
	vm3 =	vge.s32 v15, $0xC380;
	v12 =	vsub.f32 v12, v0;
	vm7 =	vgt.s32 v3, $0x0  }
0xb2: {  	v4 =	vld [tilespmem:s1+$0x10];
	v6 =	vnsel vm5, $0xC37F, v15;
	vm5 =	vge.s32 v16, $0xC380;
	v10 =	vnsel vm7, $0x0, v3  }
0xb3: {  	v0 =	vld [tilespmem:s2+$0x0];
	v3 =	vsel vm2, v8, v9;
	v9 =	vadd.f32 v17, v11;
	v11 =	vmul.f32 v12, v12  }
0xb4: {  	vm2 =	vlt.s32 v16, $0xC380;
	v12 =	vadd.s32 $0xFFFF3C80, v16;
	v8 =	vsub.f32 v2, v3;
	v3 =	vld.idx.msk [tilespmem:v13+s20+$0x0], vm0  }
0xb5: {  	v7 =	vld.idx.msk [tilespmem:v18+s21+$0x0], vm6;
	vm6 =	vlt.s32 v16, $0xC37F;
	vm7 =	vgt.s32 v12, $0x0;
	v9 =	vadd.f32 v11, v9  }
0xb6: {  	s30 =	simm.s32 $0x80;
	s1 =	simm.s32 $0x1C760;
	v2 =	vld [tilespmem:s2+$0xFFFFFFF0];
	v11 =	vnsel vm6, $0xC37F, v16;
	v12 =	vnsel vm7, $0x0, v12;
	v13 =	vsel vm4, v19, v14  }
.LBB2_6:
0xb7: {  	s3 =	sand.u32 $0xFC0, s30;
	p0 =	sne.s32 s30, $0xFC0;
	s30 =	sadd.s32 $0x40, s30;
	v10 =	vld.idx.msk [tilespmem:v10+s21+$0x0], vm3;
	vm3 =	vge.s32 v5, $0xC380;
	v14 =	vadd.s32 $0xFFFF3C80, v5;
	v4 =	vsub.f32 v4, v13  }
0xb8: {  	vm4 =	vlt.s32 v5, $0xC380;
	v8 =	vmul.f32 v8, v8;
	v13 =	vld [tilespmem:s3+$0x2000];
	vm6 =	vgt.s32 v14, $0x0  }
0xb9: {  	vm7 =	vlt.s32 v5, $0xC37F;
	s0 =	sadd.s32 $0x40, s0;
	v6 =	vld.idx.msk [tilespmem:v6+s20+$0x0], vm1;
	v14 =	vnsel vm6, $0x0, v14  }
0xba: {  	v5 =	vnsel vm7, $0xC37F, v5;
	v8 =	vadd.f32 v8, v9;
	v4 =	vmul.f32 v4, v4;
	v15 =	vld [tilespmem:s0+$0xFFFFFFE0]  }
0xbb: {  	v3 =	vsel vm0, v3, v7;
	v7 =	vld.idx.msk [tilespmem:v12+s21+$0x0], vm5  }
0xbc: {  	s2 =	sadd.s32 $0x40, s2;
	v3 =	vsub.f32 v1, v3;
	v8 =	vadd.f32 v4, v8;
	v9 =	vld.idx.msk [tilespmem:v11+s20+$0x0], vm2  }
0xbd: {  	v1 =	vld [tilespmem:s2+$0xFFFFFFE0];
	vm6 =	vge.s32 v13, $0xC380;
	vm0 =	vlt.s32 v13, $0xC380;
	v4 =	vadd.s32 $0xFFFF3C80, v13  }
0xbe: {  	vm5 =	vlt.s32 v13, $0xC37F;
	v3 =	vmul.f32 v3, v3;
	vm7 =	vgt.s32 v4, $0x0;
	v11 =	vld [tilespmem:s0+$0xFFFFFFF0]  }
0xbf: {  	v12 =	vnsel vm5, $0xC37F, v13;
	v13 =	vnsel vm7, $0x0, v4;
	v4 =	vsel vm1, v6, v10;
	v14 =	vld.idx.msk [tilespmem:v14+s21+$0x0], vm3  }
0xc0: {  	vm3 =	vge.s32 v15, $0xC380;
	v10 =	vadd.s32 $0xFFFF3C80, v15;
	v2 =	vsub.f32 v2, v4;
	v16 =	vld.idx.msk [tilespmem:v5+s20+$0x0], vm4  }
0xc1: {  	vm1 =	vlt.s32 v15, $0xC380;
	vm5 =	vlt.s32 v15, $0xC37F;
	vm7 =	vgt.s32 v10, $0x0;
	v4 =	vld [tilespmem:s1+$0x10];
	s1 =	smov.u32 s2  }
.Ltmp2:
0xc2: {  	v6 =	vnsel vm5, $0xC37F, v15;
	v10 =	vnsel vm7, $0x0, v10;
	v7 =	vsel vm2, v9, v7;
	v5 =	vld [tilespmem:s0+$0x0];
	(pc) =	sbr.rel @p0 .LBB2_6-.Ltmp2, $4  }
0xc3: {  	v9 =	vadd.f32 v3, v8;
	v2 =	vmul.f32 v2, v2;
	v8 =	vsub.f32 v0, v7;
	v0 =	vld [tilespmem:s2+$0x0]  }
0xc4: {  	vm5 =	vge.s32 v11, $0xC380;
	vm2 =	vlt.s32 v11, $0xC380;
	v3 =	vld.idx.msk [tilespmem:v12+s20+$0x0], vm0;
	v12 =	vadd.s32 $0xFFFF3C80, v11  }
0xc5: {  	v9 =	vadd.f32 v2, v9;
	v7 =	vld.idx.msk [tilespmem:v13+s21+$0x0], vm6;
	vm6 =	vlt.s32 v11, $0xC37F;
	vm7 =	vgt.s32 v12, $0x0  }
0xc6: {  	v13 =	vsel vm4, v16, v14;
	v2 =	vld [tilespmem:s2+$0xFFFFFFF0];
	v11 =	vnsel vm6, $0xC37F, v11;
	v12 =	vnsel vm7, $0x0, v12  }
0xc7: {  	_ =	sdelay $0x2  }
0xc8: {  	v14 =	vadd.s32 $0xFFFF3C80, v5  }
0xc9: {  	vm6 =	vge.s32 v5, $0xC380;
	vm7 =	vgt.s32 v14, $0x0  }
0xca: {  	vm4 =	vlt.s32 v5, $0xC380;
	v10 =	vld.idx.msk [tilespmem:v10+s21+$0x0], vm3;
	v14 =	vnsel vm7, $0x0, v14;
	vm7 =	vlt.s32 v5, $0xC37F  }
0xcb: {  	v6 =	vld.idx.msk [tilespmem:v6+s20+$0x0], vm1;
	v5 =	vnsel vm7, $0xC37F, v5  }
0xcc: {  	v12 =	vld.idx.msk [tilespmem:v12+s21+$0x0], vm5  }
0xcd: {  	v11 =	vld.idx.msk [tilespmem:v11+s20+$0x0], vm2  }
0xce: {  	v15 =	vld [tilespmem:s1+$0x10]  }
0xcf: {  	v14 =	vld.idx.msk [tilespmem:v14+s21+$0x0], vm6  }
0xd0: {  	v5 =	vld.idx.msk [tilespmem:v5+s20+$0x0], vm4;
	_ =	swait.ge [sflag:s29], $0x1000  }
0xd1: {  	s0 =	simm.s32 $0x0;
	v4 =	vsub.f32 v4, v13;
	v8 =	vmul.f32 v8, v8;
	[sflag:s29] =	ssyncset.done $0x0  }
0xd2: {  	s0 =	sand.u32 $0xFC0, s0;
	v3 =	vsel vm0, v3, v7;
	[sflag:s29] =	ssyncadd.s32 $0xFFFFF000  }
0xd3: {  	v8 =	vadd.f32 v8, v9;
	v4 =	vmul.f32 v4, v4;
	v1 =	vsub.f32 v1, v3;
	v13 =	vld [tilespmem:s0+$0x3000]  }
0xd4: {  	s2 =	simm.s32 $0x3030;
	v6 =	vsel vm1, v6, v10  }
0xd5: {  	v4 =	vadd.f32 v4, v8;
	v1 =	vmul.f32 v1, v1;
	v2 =	vsub.f32 v2, v6;
	v3 =	vld [tilespmem:s2+$0xFFFFFFE0]  }
0xd6: {  	v6 =	vsel vm2, v11, v12  }
0xd7: {  	v0 =	vsub.f32 v0, v6;
	v1 =	vadd.f32 v1, v4;
	v2 =	vmul.f32 v2, v2  }
0xd8: {  	s1 =	simm.s32 $0x1D720;
	v8 =	vld [tilespmem:s2+$0xFFFFFFF0];
	vm0 =	vlt.s32 v13, $0xC380;
	v7 =	vadd.s32 $0xFFFF3C80, v13;
	vm1 =	vlt.s32 v13, $0xC37F  }
0xd9: {  	v10 =	vld [tilespmem:s1+$0xFFFFFFE0];
	vm2 =	vge.s32 v13, $0xC380;
	vm3 =	vgt.s32 v7, $0x0;
	v9 =	vnsel vm1, $0xC37F, v13  }
0xda: {  	v1 =	vadd.f32 v2, v1;
	v2 =	vld [tilespmem:s1+$0x0];
	v4 =	vnsel vm3, $0x0, v7;
	v7 =	vadd.s32 $0xFFFF3C80, v3  }
0xdb: {  	s3 =	simm.s32 $0x40;
	v0 =	vmul.f32 v0, v0;
	v12 =	vld [tilespmem:s1+$0xFFFFFFF0];
	v5 =	vsel vm4, v5, v14;
	vm1 =	vgt.s32 v7, $0x0  }
0xdc: {  	s0 =	sand.u32 $0xFC0, s3;
	v5 =	vsub.f32 v15, v5;
	vm3 =	vge.s32 v3, $0xC380;
	v6 =	vnsel vm1, $0x0, v7;
	v7 =	vld [tilespmem:s2+$0x0]  }
0xdd: {  	vm5 =	vlt.s32 v3, $0xC37F;
	v11 =	vadd.s32 $0xFFFF3C80, v8;
	v13 =	vld [tilespmem:s0+$0x3000];
	vm1 =	vlt.s32 v3, $0xC380  }
0xde: {  	vm4 =	vgt.s32 v11, $0x0;
	v3 =	vnsel vm5, $0xC37F, v3;
	vm5 =	vge.s32 v8, $0xC380;
	v9 =	vld.idx.msk [tilespmem:v9+s20+$0x0], vm0  }
0xdf: {  	vm6 =	vlt.s32 v8, $0xC37F;
	s0 =	simm.s32 $0x3070;
	v11 =	vnsel vm4, $0x0, v11;
	v4 =	vld.idx.msk [tilespmem:v4+s21+$0x0], vm2;
	vm2 =	vlt.s32 v8, $0xC380  }
0xe0: {  	v0 =	vadd.f32 v0, v1;
	v5 =	vmul.f32 v5, v5;
	v14 =	vld [tilespmem:s0+$0xFFFFFFE0];
	v8 =	vnsel vm6, $0xC37F, v8  }
0xe1: {  	v15 =	vld [tilespmem:s0+$0xFFFFFFF0];
	v1 =	vadd.s32 $0xFFFF3C80, v7;
	vm4 =	vlt.s32 v7, $0xC380;
	vm7 =	vlt.s32 v7, $0xC37F  }
0xe2: {  	v6 =	vld.idx.msk [tilespmem:v6+s21+$0x0], vm3;
	vm3 =	vge.s32 v7, $0xC380;
	vm6 =	vgt.s32 v1, $0x0;
	v7 =	vnsel vm7, $0xC37F, v7  }
0xe3: {  	v3 =	vld.idx.msk [tilespmem:v3+s20+$0x0], vm1;
	v1 =	vnsel vm6, $0x0, v1  }
0xe4: {  	v5 =	vadd.f32 v5, v0;
	vm6 =	vge.s32 v13, $0xC380;
	v4 =	vsel vm0, v9, v4;
	v9 =	vld.idx.msk [tilespmem:v11+s21+$0x0], vm5  }
0xe5: {  	s2 =	simm.s32 $0x1D760;
	vm5 =	vlt.s32 v13, $0xC37F;
	v4 =	vsub.f32 v10, v4;
	v11 =	vld.idx.msk [tilespmem:v8+s20+$0x0], vm2;
	v8 =	vadd.s32 $0xFFFF3C80, v13  }
0xe6: {  	v0 =	vld [tilespmem:s2+$0xFFFFFFE0];
	vm0 =	vlt.s32 v13, $0xC380;
	v13 =	vnsel vm5, $0xC37F, v13;
	vm7 =	vgt.s32 v8, $0x0  }
0xe7: {  	vm5 =	vlt.s32 v14, $0xC37F;
	v4 =	vmul.f32 v4, v4;
	v16 =	vnsel vm7, $0x0, v8;
	v18 =	vld.idx.msk [tilespmem:v7+s20+$0x0], vm4  }
0xe8: {  	v3 =	vsel vm1, v3, v6;
	vm1 =	vlt.s32 v14, $0xC380;
	v17 =	vld.idx.msk [tilespmem:v1+s21+$0x0], vm3;
	v1 =	vadd.s32 $0xFFFF3C80, v14  }
0xe9: {  	v7 =	vld [tilespmem:s0+$0x0];
	vm3 =	vge.s32 v14, $0xC380;
	v6 =	vsub.f32 v12, v3;
	vm7 =	vgt.s32 v1, $0x0  }
0xea: {  	v8 =	vnsel vm5, $0xC37F, v14;
	vm5 =	vge.s32 v15, $0xC380;
	v3 =	vld [tilespmem:s1+$0x10];
	v10 =	vnsel vm7, $0x0, v1  }
0xeb: {  	v9 =	vsel vm2, v11, v9;
	v1 =	vld [tilespmem:s2+$0x0];
	v11 =	vadd.f32 v4, v5;
	v12 =	vmul.f32 v6, v6  }
0xec: {  	v4 =	vld.idx.msk [tilespmem:v13+s20+$0x0], vm0;
	vm2 =	vlt.s32 v15, $0xC380;
	v13 =	vadd.s32 $0xFFFF3C80, v15;
	v6 =	vsub.f32 v2, v9  }
0xed: {  	vm7 =	vgt.s32 v13, $0x0;
	v5 =	vld.idx.msk [tilespmem:v16+s21+$0x0], vm6;
	vm6 =	vlt.s32 v15, $0xC37F;
	v9 =	vadd.f32 v12, v11  }
0xee: {  	s30 =	simm.s32 $0x80;
	s1 =	simm.s32 $0x1D760;
	v2 =	vld [tilespmem:s2+$0xFFFFFFF0];
	v12 =	vnsel vm7, $0x0, v13;
	v11 =	vnsel vm6, $0xC37F, v15;
	v13 =	vsel vm4, v18, v17  }
.LBB2_8:
0xef: {  	s3 =	sand.u32 $0xFC0, s30;
	p0 =	sne.s32 s30, $0xFC0;
	s30 =	sadd.s32 $0x40, s30;
	v10 =	vld.idx.msk [tilespmem:v10+s21+$0x0], vm3;
	vm3 =	vge.s32 v7, $0xC380;
	v14 =	vadd.s32 $0xFFFF3C80, v7;
	v3 =	vsub.f32 v3, v13  }
0xf0: {  	vm4 =	vlt.s32 v7, $0xC380;
	v6 =	vmul.f32 v6, v6;
	v13 =	vld [tilespmem:s3+$0x3000];
	vm6 =	vgt.s32 v14, $0x0  }
0xf1: {  	vm7 =	vlt.s32 v7, $0xC37F;
	s0 =	sadd.s32 $0x40, s0;
	v8 =	vld.idx.msk [tilespmem:v8+s20+$0x0], vm1;
	v14 =	vnsel vm6, $0x0, v14  }
0xf2: {  	v7 =	vnsel vm7, $0xC37F, v7;
	v6 =	vadd.f32 v6, v9;
	v3 =	vmul.f32 v3, v3;
	v15 =	vld [tilespmem:s0+$0xFFFFFFE0]  }
0xf3: {  	v4 =	vsel vm0, v4, v5;
	v5 =	vld.idx.msk [tilespmem:v12+s21+$0x0], vm5  }
0xf4: {  	s2 =	sadd.s32 $0x40, s2;
	v4 =	vsub.f32 v0, v4;
	v6 =	vadd.f32 v3, v6;
	v9 =	vld.idx.msk [tilespmem:v11+s20+$0x0], vm2  }
0xf5: {  	v0 =	vld [tilespmem:s2+$0xFFFFFFE0];
	vm6 =	vge.s32 v13, $0xC380;
	vm0 =	vlt.s32 v13, $0xC380;
	v3 =	vadd.s32 $0xFFFF3C80, v13  }
0xf6: {  	vm5 =	vlt.s32 v13, $0xC37F;
	v4 =	vmul.f32 v4, v4;
	vm7 =	vgt.s32 v3, $0x0;
	v11 =	vld [tilespmem:s0+$0xFFFFFFF0]  }
0xf7: {  	v12 =	vnsel vm5, $0xC37F, v13;
	v13 =	vnsel vm7, $0x0, v3;
	v3 =	vsel vm1, v8, v10;
	v14 =	vld.idx.msk [tilespmem:v14+s21+$0x0], vm3  }
0xf8: {  	vm3 =	vge.s32 v15, $0xC380;
	v10 =	vadd.s32 $0xFFFF3C80, v15;
	v2 =	vsub.f32 v2, v3;
	v16 =	vld.idx.msk [tilespmem:v7+s20+$0x0], vm4  }
0xf9: {  	vm1 =	vlt.s32 v15, $0xC380;
	vm5 =	vlt.s32 v15, $0xC37F;
	vm7 =	vgt.s32 v10, $0x0;
	v3 =	vld [tilespmem:s1+$0x10];
	s1 =	smov.u32 s2  }
.Ltmp3:
0xfa: {  	v8 =	vnsel vm5, $0xC37F, v15;
	v10 =	vnsel vm7, $0x0, v10;
	v5 =	vsel vm2, v9, v5;
	v7 =	vld [tilespmem:s0+$0x0];
	(pc) =	sbr.rel @p0 .LBB2_8-.Ltmp3, $4  }
0xfb: {  	v9 =	vadd.f32 v4, v6;
	v2 =	vmul.f32 v2, v2;
	v6 =	vsub.f32 v1, v5;
	v1 =	vld [tilespmem:s2+$0x0]  }
0xfc: {  	vm5 =	vge.s32 v11, $0xC380;
	vm2 =	vlt.s32 v11, $0xC380;
	v4 =	vld.idx.msk [tilespmem:v12+s20+$0x0], vm0;
	v12 =	vadd.s32 $0xFFFF3C80, v11  }
0xfd: {  	v9 =	vadd.f32 v2, v9;
	v5 =	vld.idx.msk [tilespmem:v13+s21+$0x0], vm6;
	vm6 =	vlt.s32 v11, $0xC37F;
	vm7 =	vgt.s32 v12, $0x0  }
0xfe: {  	v13 =	vsel vm4, v16, v14;
	v2 =	vld [tilespmem:s2+$0xFFFFFFF0];
	v11 =	vnsel vm6, $0xC37F, v11;
	v12 =	vnsel vm7, $0x0, v12  }
0xff: {  	_ =	sdelay $0x3  }
0x100: {  	v14 =	vadd.s32 $0xFFFF3C80, v7;
	vm4 =	vlt.s32 v7, $0xC380;
	vm8 =	vlt.s32 v7, $0xC37F  }
0x101: {  	vm6 =	vge.s32 v7, $0xC380;
	v10 =	vld.idx.msk [tilespmem:v10+s21+$0x0], vm3;
	vm7 =	vgt.s32 v14, $0x0;
	v7 =	vnsel vm8, $0xC37F, v7  }
0x102: {  	v8 =	vld.idx.msk [tilespmem:v8+s20+$0x0], vm1;
	v14 =	vnsel vm7, $0x0, v14  }
0x103: {  	v12 =	vld.idx.msk [tilespmem:v12+s21+$0x0], vm5  }
0x104: {  	v11 =	vld.idx.msk [tilespmem:v11+s20+$0x0], vm2  }
0x105: {  	v15 =	vld [tilespmem:s1+$0x10]  }
0x106: {  	v7 =	vld.idx.msk [tilespmem:v7+s20+$0x0], vm4  }
0x107: {  	v14 =	vld.idx.msk [tilespmem:v14+s21+$0x0], vm6;
	[tilespmem:s20], [sflag:$0x1] =	stream.strided.gather [hbm4b:s10+s18], $0xC380, s19, s18, $0x38;
	[tilespmem:$0x1E780] =	vst v63  }
0x108: {  	_ = 	snop  }
0x109: {  	[tilespmem:s21], [sflag:$0x2] =	stream.strided.gather [hbm4b:s11+s18], $0xC380, s19, s18, $0x38;
	[tilespmem:$0x1E780] =	vst v63  }
0x10a: {  	_ = 	snop  }
0x10b: {  	[tilespmem:s22], [sflag:$0x3] =	stream.strided.gather [hbm4b:s12+s18], $0x1000, s19, s18, $0x38;
	[tilespmem:$0x1E780] =	vst v63  }
0x10c: {  	_ =	swait.ge [sflag:s24], $0xC380  }
0x10d: {  	[sflag:s24] =	ssyncset.done $0x0  }
0x10e: {  	[sflag:s24] =	ssyncadd.s32 $0xFFFF3C80  }
0x10f: {  	v3 =	vsub.f32 v3, v13;
	v6 =	vmul.f32 v6, v6;
	_ =	swait.ge [sflag:s25], $0xC380  }
0x110: {  	[sflag:s25] =	ssyncset.done $0x0  }
0x111: {  	v6 =	vadd.f32 v6, v9;
	v3 =	vmul.f32 v3, v3;
	v4 =	vsel vm0, v4, v5;
	[sflag:s25] =	ssyncadd.s32 $0xFFFF3C80  }
0x112: {  	v0 =	vsub.f32 v0, v4;
	_ =	swait.ge [sflag:s26], $0x1000  }
0x113: {  	v3 =	vadd.f32 v3, v6;
	v6 =	vsel vm1, v8, v10;
	[sflag:s26] =	ssyncset.done $0x0  }
0x114: {  	s30 =	simm.s32 $0x0;
	v0 =	vmul.f32 v0, v0;
	v2 =	vsub.f32 v2, v6;
	[sflag:s26] =	ssyncadd.s32 $0xFFFFF000  }
0x115: {  	v6 =	vsel vm2, v11, v12;
	[tilespmem:s28], [sflag:$0x4] =	stream.strided.gather [hbm4b:s13+s18], $0x1000, s19, s18, $0x38;
	[tilespmem:$0x1E780] =	vst v63  }
0x116: {  	v1 =	vsub.f32 v1, v6;
	v0 =	vadd.f32 v0, v3;
	v2 =	vmul.f32 v2, v2;
	v5 =	vld [tilespmem:s30+$0x0]  }
0x117: {  	v4 =	vld [tilespmem:s30+$0x10]  }
0x118: {  	v1 =	vmul.f32 v1, v1;
	v0 =	vadd.f32 v2, v0;
	v7 =	vsel vm4, v7, v14  }
0x119: {  	v7 =	vsub.f32 v15, v7  }
0x11a: {  	v0 =	vadd.f32 v1, v0  }
0x11b: {  	v7 =	vmul.f32 v7, v7;
	v3 =	vld [tilespmem:s30+$0x20];
	vm0 =	vlt.s32 v5, $0xC380;
	vm1 =	vlt.s32 v5, $0xC37F  }
0x11c: {  	v8 =	vadd.s32 $0xFFFF3C80, v4;
	v6 =	vnsel vm1, $0xC37F, v5;
	vm1 =	vlt.s32 v4, $0xC37F  }
0x11d: {  	v2 =	vld [tilespmem:s30+$0x30];
	vm3 =	vgt.s32 v8, $0x0;
	v9 =	vnsel vm1, $0xC37F, v4;
	vm1 =	vge.s32 v4, $0xC380  }
0x11e: {  	v14 =	vld [tilespmem:s30+$0x1C710];
	vm2 =	vlt.s32 v4, $0xC380;
	v4 =	vnsel vm3, $0x0, v8  }
0x11f: {  	s0 =	simm.s32 $0x40;
	v0 =	vadd.f32 v7, v0;
	v11 =	vld [tilespmem:s30+$0x1C700];
	v8 =	vadd.s32 $0xFFFF3C80, v5  }
0x120: {  	v15 =	vld [tilespmem:s0+$0x10];
	vm3 =	vge.s32 v5, $0xC380;
	v5 =	vadd.s32 $0xFFFF3C80, v3;
	vm4 =	vgt.s32 v8, $0x0  }
0x121: {  	v7 =	vld [tilespmem:s0+$0x20];
	vm6 =	vge.s32 v3, $0xC380;
	vm7 =	vgt.s32 v5, $0x0;
	v8 =	vnsel vm4, $0x0, v8  }
0x122: {  	vm5 =	vlt.s32 v3, $0xC380;
	vm4 =	vlt.s32 v3, $0xC37F;
	v5 =	vnsel vm7, $0x0, v5;
	v6 =	vld.idx.msk [tilespmem:v6+s20+$0x0], vm0  }
0x123: {  	v3 =	vnsel vm4, $0xC37F, v3;
	v13 =	vld.idx.msk [tilespmem:v4+s21+$0x0], vm1  }
0x124: {  	v1 =	vadd.s32 $0xFFFF3C80, v2;
	v4 =	vld [tilespmem:s0+$0x0]  }
0x125: {  	vm4 =	vge.s32 v2, $0xC380;
	v12 =	vld.idx.msk [tilespmem:v9+s20+$0x0], vm2;
	vm1 =	vgt.s32 v1, $0x0  }
0x126: {  	vm8 =	vmmov vm0;
	vm9 =	vmmov vm2;
	v1 =	vnsel vm1, $0x0, v1;
	v8 =	vld.idx.msk [tilespmem:v8+s21+$0x0], vm3  }
0x127: {  	vm7 =	vmmov vm5;
	vm3 =	vlt.s32 v2, $0xC37F;
	vm1 =	vlt.s32 v2, $0xC380;
	v17 =	vld.idx.msk [tilespmem:v5+s21+$0x0], vm6  }
0x128: {  	vm6 =	vge.s32 v15, $0xC380;
	v16 =	vld.idx.msk [tilespmem:v3+s20+$0x0], vm5;
	v3 =	vnsel vm3, $0xC37F, v2;
	vm5 =	vlt.s32 v15, $0xC37F  }
0x129: {  	v9 =	vld [tilespmem:s30+$0x1C720];
	v10 =	vnsel vm5, $0xC37F, v15;
	vm5 =	vge.s32 v7, $0xC380;
	vm0 =	vlt.s32 v4, $0xC380  }
0x12a: {  	v5 =	vld [tilespmem:s0+$0x1C710];
	vm2 =	vlt.s32 v4, $0xC37F;
	vm3 =	vge.s32 v4, $0xC380;
	v18 =	vadd.s32 $0xFFFF3C80, v4  }
0x12b: {  	v19 =	vnsel vm2, $0xC37F, v4;
	v4 =	vld.idx.msk [tilespmem:v1+s21+$0x0], vm4;
	vm2 =	vlt.s32 v15, $0xC380;
	v1 =	vadd.s32 $0xFFFF3C80, v15  }
0x12c: {  	v2 =	vld [tilespmem:s0+$0x30];
	vm10 =	vgt.s32 v18, $0x0;
	v20 =	vsel vm8, v6, v8;
	vm4 =	vgt.s32 v1, $0x0  }
0x12d: {  	v15 =	vsel vm9, v12, v13;
	v6 =	vld [tilespmem:s30+$0x1C730];
	v12 =	vnsel vm4, $0x0, v1;
	v1 =	vadd.s32 $0xFFFF3C80, v7  }
0x12e: {  	v8 =	vld.idx.msk [tilespmem:v3+s20+$0x0], vm1;
	v20 =	vsub.f32 v11, v20;
	v13 =	vnsel vm10, $0x0, v18;
	vm8 =	vgt.s32 v1, $0x0  }
0x12f: {  	v14 =	vsub.f32 v14, v15;
	v16 =	vsel vm7, v16, v17;
	v11 =	vnsel vm8, $0x0, v1;
	v1 =	vld [tilespmem:s0+$0x1C700]  }
0x130: {  	s1 =	simm.s32 $0x200;
	vm4 =	vlt.s32 v7, $0xC380;
	v15 =	vmul.f32 v20, v20;
	vm8 =	vlt.s32 v7, $0xC37F;
	v3 =	vld.idx.msk [tilespmem:v19+s20+$0x0], vm0  }
.LBB2_10:
0x131: {  	s2 =	sshra.s32 s1, $0x2;
	p0 =	sne.s32 s1, $0x3F00;
	s1 =	sadd.s32 $0x100, s1;
	v17 =	vld.idx.msk [tilespmem:v10+s20+$0x0], vm2;
	v7 =	vnsel vm8, $0xC37F, v7;
	v10 =	vmul.f32 v14, v14;
	v9 =	vsub.f32 v9, v16  }
0x132: {  	v14 =	vadd.s32 $0xFFFF3C80, v2;
	v12 =	vld.idx.msk [tilespmem:v12+s21+$0x0], vm6;
	vm6 =	vge.s32 v2, $0xC380;
	v0 =	vadd.f32 v15, v0  }
0x133: {  	v4 =	vsel vm1, v8, v4;
	vm7 =	vgt.s32 v14, $0x0;
	v15 =	vld [tilespmem:s2+$0x0];
	v9 =	vmul.f32 v9, v9;
	v16 =	vmovc v5  }
0x134: {  	v4 =	vsub.f32 v6, v4;
	v8 =	vnsel vm7, $0x0, v14;
	v5 =	vld [tilespmem:s2+$0x10];
	v0 =	vadd.f32 v10, v0  }
0x135: {  	vm9 =	vmmov vm0;
	vm8 =	vmmov vm2;
	v6 =	vld.idx.msk [tilespmem:v13+s21+$0x0], vm3;
	vm3 =	vlt.s32 v2, $0xC37F  }
0x136: {  	vm1 =	vlt.s32 v2, $0xC380;
	v4 =	vmul.f32 v4, v4;
	v18 =	vld.idx.msk [tilespmem:v7+s20+$0x0], vm4;
	v0 =	vadd.f32 v9, v0  }
0x137: {  	vm7 =	vmmov vm4;
	v19 =	vld.idx.msk [tilespmem:v11+s21+$0x0], vm5;
	v11 =	vnsel vm3, $0xC37F, v2  }
0x138: {  	vm0 =	vlt.s32 v15, $0xC380;
	vm2 =	vlt.s32 v15, $0xC37F;
	v7 =	vld [tilespmem:s2+$0x20];
	v0 =	vadd.f32 v4, v0  }
0x139: {  	vm3 =	vge.s32 v15, $0xC380;
	v13 =	vadd.s32 $0xFFFF3C80, v15;
	vm4 =	vlt.s32 v5, $0xC37F;
	v2 =	vld [tilespmem:s2+$0x30]  }
0x13a: {  	v14 =	vnsel vm2, $0xC37F, v15;
	vm10 =	vgt.s32 v13, $0x0;
	v10 =	vnsel vm4, $0xC37F, v5;
	v4 =	vld.idx.msk [tilespmem:v8+s21+$0x0], vm6  }
0x13b: {  	vm2 =	vlt.s32 v5, $0xC380;
	v15 =	vadd.s32 $0xFFFF3C80, v5;
	v3 =	vsel vm9, v3, v6;
	v9 =	vld [tilespmem:s0+$0x1C720]  }
.Ltmp4:
0x13c: {  	v17 =	vsel vm8, v17, v12;
	vm6 =	vge.s32 v5, $0xC380;
	vm4 =	vgt.s32 v15, $0x0;
	v8 =	vld.idx.msk [tilespmem:v11+s20+$0x0], vm1;
	(pc) =	sbr.rel @p0 .LBB2_10-.Ltmp4, $4  }
0x13d: {  	v12 =	vnsel vm4, $0x0, v15;
	vm5 =	vge.s32 v7, $0xC380;
	v11 =	vadd.s32 $0xFFFF3C80, v7;
	v6 =	vld [tilespmem:s0+$0x1C730];
	s0 =	smov.u32 s2  }
0x13e: {  	v15 =	vsub.f32 v1, v3;
	vm4 =	vlt.s32 v7, $0xC380;
	v5 =	vld [tilespmem:s0+$0x1C710];
	vm8 =	vgt.s32 v11, $0x0  }
0x13f: {  	v13 =	vnsel vm10, $0x0, v13;
	v3 =	vld.idx.msk [tilespmem:v14+s20+$0x0], vm0;
	v11 =	vnsel vm8, $0x0, v11;
	v14 =	vsub.f32 v16, v17  }
0x140: {  	v15 =	vmul.f32 v15, v15;
	vm8 =	vlt.s32 v7, $0xC37F;
	v16 =	vsel vm7, v18, v19;
	v1 =	vld [tilespmem:s0+$0x1C700]  }
0x141: {  	_ =	sdelay $0x4  }
0x142: {  	v7 =	vnsel vm8, $0xC37F, v7;
	v12 =	vld.idx.msk [tilespmem:v12+s21+$0x0], vm6  }
0x143: {  	v17 =	vadd.s32 $0xFFFF3C80, v2;
	v13 =	vld.idx.msk [tilespmem:v13+s21+$0x0], vm3;
	vm6 =	vlt.s32 v2, $0xC37F;
	vm3 =	vlt.s32 v2, $0xC380  }
0x144: {  	vm7 =	vge.s32 v2, $0xC380;
	v10 =	vld.idx.msk [tilespmem:v10+s20+$0x0], vm2;
	vm15 =	vgt.s32 v17, $0x0;
	v2 =	vnsel vm6, $0xC37F, v2  }
0x145: {  	v11 =	vld.idx.msk [tilespmem:v11+s21+$0x0], vm5;
	v17 =	vnsel vm15, $0x0, v17  }
0x146: {  	v18 =	vld [tilespmem:s0+$0x1C720]  }
0x147: {  	v19 =	vld [tilespmem:s0+$0x1C730]  }
0x148: {  	v9 =	vsub.f32 v9, v16;
	v14 =	vmul.f32 v14, v14;
	v0 =	vadd.f32 v15, v0;
	v7 =	vld.idx.msk [tilespmem:v7+s20+$0x0], vm4  }
0x149: {  	v4 =	vsel vm1, v8, v4;
	vm0 =	vmmov vm0;
	v2 =	vld.idx.msk [tilespmem:v2+s20+$0x0], vm3  }
0x14a: {  	v4 =	vsub.f32 v6, v4;
	v8 =	vmul.f32 v9, v9;
	v0 =	vadd.f32 v14, v0;
	v17 =	vld.idx.msk [tilespmem:v17+s21+$0x0], vm7;
	_ =	swait.ge [sflag:s29], $0x1000  }
0x14b: {  	s1 =	simm.s32 $0x0;
	vm1 =	vmmov vm2;
	v3 =	vsel vm0, v3, v13;
	[sflag:s29] =	ssyncset.done $0x0  }
0x14c: {  	s0 =	sand.u32 $0xFC0, s1;
	v4 =	vmul.f32 v4, v4;
	v0 =	vadd.f32 v8, v0;
	v1 =	vsub.f32 v1, v3;
	[sflag:s29] =	ssyncadd.s32 $0xFFFFF000  }
0x14d: {  	vm2 =	vmmov vm4;
	v8 =	vsel vm1, v10, v12;
	[tilespmem:s22], [sflag:$0x3] =	stream.strided.gather [hbm4b:s14+s18], $0x1000, s19, s18, $0x38;
	[tilespmem:$0x1E780] =	vst v63  }
0x14e: {  	v0 =	vadd.f32 v4, v0;
	v4 =	vsub.f32 v5, v8;
	v1 =	vmul.f32 v1, v1;
	v6 =	vld [tilespmem:s0+$0x1000]  }
0x14f: {  	s2 =	simm.s32 $0x1030;
	v7 =	vsel vm2, v7, v11  }
0x150: {  	v4 =	vmul.f32 v4, v4;
	v0 =	vadd.f32 v1, v0;
	v3 =	vld [tilespmem:s2+$0xFFFFFFE0];
	v7 =	vsub.f32 v18, v7;
	_ =	sdelay $0x1  }
0x151: {  	v0 =	vadd.f32 v4, v0;
	v7 =	vmul.f32 v7, v7  }
0x152: {  	s1 =	simm.s32 $0x1D720;
	v8 =	vld [tilespmem:s2+$0xFFFFFFF0];
	vm0 =	vlt.s32 v6, $0xC380;
	v5 =	vadd.s32 $0xFFFF3C80, v6;
	vm1 =	vlt.s32 v6, $0xC37F  }
0x153: {  	s3 =	simm.s32 $0x40;
	v10 =	vld [tilespmem:s1+$0xFFFFFFE0];
	vm4 =	vge.s32 v6, $0xC380;
	vm5 =	vgt.s32 v5, $0x0;
	v6 =	vnsel vm1, $0xC37F, v6  }
0x154: {  	v11 =	vld [tilespmem:s1+$0x0];
	s0 =	sand.u32 $0xFC0, s3;
	v9 =	vadd.s32 $0xFFFF3C80, v3;
	v5 =	vnsel vm5, $0x0, v5  }
0x155: {  	v2 =	vsel vm3, v2, v17;
	v0 =	vadd.f32 v7, v0;
	v7 =	vld [tilespmem:s0+$0x1000];
	vm1 =	vgt.s32 v9, $0x0  }
0x156: {  	v2 =	vsub.f32 v19, v2;
	s0 =	simm.s32 $0x1070;
	vm5 =	vge.s32 v3, $0xC380;
	v1 =	vnsel vm1, $0x0, v9;
	v9 =	vld [tilespmem:s2+$0x0]  }
0x157: {  	vm2 =	vlt.s32 v3, $0xC37F;
	v12 =	vadd.s32 $0xFFFF3C80, v8;
	v15 =	vld [tilespmem:s0+$0xFFFFFFE0];
	vm1 =	vlt.s32 v3, $0xC380  }
0x158: {  	vm6 =	vlt.s32 v8, $0xC37F;
	v3 =	vnsel vm2, $0xC37F, v3;
	vm2 =	vlt.s32 v8, $0xC380;
	v6 =	vld.idx.msk [tilespmem:v6+s20+$0x0], vm0  }
0x159: {  	vm3 =	vge.s32 v8, $0xC380;
	v8 =	vnsel vm6, $0xC37F, v8;
	v4 =	vld.idx.msk [tilespmem:v5+s21+$0x0], vm4;
	vm4 =	vgt.s32 v12, $0x0  }
0x15a: {  	v60 =	vld [tilespmem:s0+$0xFFFFFFF0];
	v12 =	vnsel vm4, $0x0, v12  }
0x15b: {  	v2 =	vmul.f32 v2, v2;
	v5 =	vld [tilespmem:s1+$0xFFFFFFF0];
	vm7 =	vlt.s32 v9, $0xC37F;
	vm4 =	vlt.s32 v9, $0xC380  }
0x15c: {  	v13 =	vld.idx.msk [tilespmem:v1+s21+$0x0], vm5;
	v1 =	vadd.s32 $0xFFFF3C80, v9;
	vm5 =	vge.s32 v9, $0xC380;
	v9 =	vnsel vm7, $0xC37F, v9  }
0x15d: {  	v2 =	vadd.f32 v2, v0;
	v3 =	vld.idx.msk [tilespmem:v3+s20+$0x0], vm1;
	vm6 =	vgt.s32 v1, $0x0  }
0x15e: {  	v8 =	vld.idx.msk [tilespmem:v8+s20+$0x0], vm2;
	v14 =	vnsel vm6, $0x0, v1;
	vm6 =	vge.s32 v7, $0xC380;
	v1 =	vsel vm0, v6, v4  }
0x15f: {  	s2 =	simm.s32 $0x1D760;
	v4 =	vadd.s32 $0xFFFF3C80, v7;
	v12 =	vld.idx.msk [tilespmem:v12+s21+$0x0], vm3;
	v0 =	vsub.f32 v10, v1;
	vm3 =	vlt.s32 v7, $0xC37F  }
0x160: {  	vm0 =	vlt.s32 v7, $0xC380;
	v1 =	vld [tilespmem:s2+$0xFFFFFFE0];
	vm7 =	vgt.s32 v4, $0x0;
	v7 =	vnsel vm3, $0xC37F, v7  }
0x161: {  	v62 =	vnsel vm7, $0x0, v4;
	vm3 =	vge.s32 v15, $0xC380;
	v63 =	vld.idx.msk [tilespmem:v9+s20+$0x0], vm4;
	v61 =	vmul.f32 v0, v0  }
0x162: {  	v4 =	vld [tilespmem:s1+$0x10];
	v0 =	vsel vm1, v3, v13;
	v3 =	vadd.s32 $0xFFFF3C80, v15;
	vm1 =	vlt.s32 v15, $0xC380  }
0x163: {  	v13 =	vld.idx.msk [tilespmem:v14+s21+$0x0], vm5;
	vm5 =	vlt.s32 v15, $0xC37F;
	v14 =	vsub.f32 v5, v0;
	vm7 =	vgt.s32 v3, $0x0  }
0x164: {  	v6 =	vnsel vm5, $0xC37F, v15;
	v5 =	vld [tilespmem:s0+$0x0];
	vm5 =	vge.s32 v60, $0xC380;
	v10 =	vnsel vm7, $0x0, v3  }
0x165: {  	v0 =	vld [tilespmem:s2+$0x0];
	v2 =	vadd.f32 v61, v2;
	v3 =	vsel vm2, v8, v12;
	v9 =	vmul.f32 v14, v14  }
0x166: {  	vm2 =	vlt.s32 v60, $0xC380;
	v12 =	vadd.s32 $0xFFFF3C80, v60;
	v8 =	vsub.f32 v11, v3;
	v3 =	vld.idx.msk [tilespmem:v7+s20+$0x0], vm0  }
0x167: {  	v7 =	vld.idx.msk [tilespmem:v62+s21+$0x0], vm6;
	vm6 =	vlt.s32 v60, $0xC37F;
	vm7 =	vgt.s32 v12, $0x0;
	v9 =	vadd.f32 v9, v2  }
0x168: {  	s30 =	simm.s32 $0x80;
	s1 =	simm.s32 $0x1D760;
	v2 =	vld [tilespmem:s2+$0xFFFFFFF0];
	v11 =	vnsel vm6, $0xC37F, v60;
	v12 =	vnsel vm7, $0x0, v12;
	v13 =	vsel vm4, v63, v13  }
.LBB2_12:
0x169: {  	s3 =	sand.u32 $0xFC0, s30;
	p0 =	sne.s32 s30, $0xFC0;
	s30 =	sadd.s32 $0x40, s30;
	v10 =	vld.idx.msk [tilespmem:v10+s21+$0x0], vm3;
	vm3 =	vge.s32 v5, $0xC380;
	v14 =	vadd.s32 $0xFFFF3C80, v5;
	v4 =	vsub.f32 v4, v13  }
0x16a: {  	vm4 =	vlt.s32 v5, $0xC380;
	v8 =	vmul.f32 v8, v8;
	v13 =	vld [tilespmem:s3+$0x1000];
	vm6 =	vgt.s32 v14, $0x0  }
0x16b: {  	vm7 =	vlt.s32 v5, $0xC37F;
	s0 =	sadd.s32 $0x40, s0;
	v6 =	vld.idx.msk [tilespmem:v6+s20+$0x0], vm1;
	v14 =	vnsel vm6, $0x0, v14  }
0x16c: {  	v5 =	vnsel vm7, $0xC37F, v5;
	v8 =	vadd.f32 v8, v9;
	v4 =	vmul.f32 v4, v4;
	v15 =	vld [tilespmem:s0+$0xFFFFFFE0]  }
0x16d: {  	v3 =	vsel vm0, v3, v7;
	v7 =	vld.idx.msk [tilespmem:v12+s21+$0x0], vm5  }
0x16e: {  	s2 =	sadd.s32 $0x40, s2;
	v3 =	vsub.f32 v1, v3;
	v8 =	vadd.f32 v4, v8;
	v9 =	vld.idx.msk [tilespmem:v11+s20+$0x0], vm2  }
0x16f: {  	v1 =	vld [tilespmem:s2+$0xFFFFFFE0];
	vm6 =	vge.s32 v13, $0xC380;
	vm0 =	vlt.s32 v13, $0xC380;
	v4 =	vadd.s32 $0xFFFF3C80, v13  }
0x170: {  	vm5 =	vlt.s32 v13, $0xC37F;
	v3 =	vmul.f32 v3, v3;
	vm7 =	vgt.s32 v4, $0x0;
	v11 =	vld [tilespmem:s0+$0xFFFFFFF0]  }
0x171: {  	v12 =	vnsel vm5, $0xC37F, v13;
	v13 =	vnsel vm7, $0x0, v4;
	v4 =	vsel vm1, v6, v10;
	v14 =	vld.idx.msk [tilespmem:v14+s21+$0x0], vm3  }
0x172: {  	vm3 =	vge.s32 v15, $0xC380;
	v10 =	vadd.s32 $0xFFFF3C80, v15;
	v2 =	vsub.f32 v2, v4;
	v16 =	vld.idx.msk [tilespmem:v5+s20+$0x0], vm4  }
0x173: {  	vm1 =	vlt.s32 v15, $0xC380;
	vm5 =	vlt.s32 v15, $0xC37F;
	vm7 =	vgt.s32 v10, $0x0;
	v4 =	vld [tilespmem:s1+$0x10];
	s1 =	smov.u32 s2  }
.Ltmp5:
0x174: {  	v6 =	vnsel vm5, $0xC37F, v15;
	v10 =	vnsel vm7, $0x0, v10;
	v7 =	vsel vm2, v9, v7;
	v5 =	vld [tilespmem:s0+$0x0];
	(pc) =	sbr.rel @p0 .LBB2_12-.Ltmp5, $4  }
0x175: {  	v9 =	vadd.f32 v3, v8;
	v2 =	vmul.f32 v2, v2;
	v8 =	vsub.f32 v0, v7;
	v0 =	vld [tilespmem:s2+$0x0]  }
0x176: {  	vm5 =	vge.s32 v11, $0xC380;
	vm2 =	vlt.s32 v11, $0xC380;
	v3 =	vld.idx.msk [tilespmem:v12+s20+$0x0], vm0;
	v12 =	vadd.s32 $0xFFFF3C80, v11  }
0x177: {  	v9 =	vadd.f32 v2, v9;
	v7 =	vld.idx.msk [tilespmem:v13+s21+$0x0], vm6;
	vm6 =	vlt.s32 v11, $0xC37F;
	vm7 =	vgt.s32 v12, $0x0  }
0x178: {  	v13 =	vsel vm4, v16, v14;
	v2 =	vld [tilespmem:s2+$0xFFFFFFF0];
	v11 =	vnsel vm6, $0xC37F, v11;
	v12 =	vnsel vm7, $0x0, v12  }
0x179: {  	_ =	sdelay $0x2  }
0x17a: {  	v14 =	vadd.s32 $0xFFFF3C80, v5  }
0x17b: {  	vm6 =	vge.s32 v5, $0xC380;
	vm7 =	vgt.s32 v14, $0x0  }
0x17c: {  	vm4 =	vlt.s32 v5, $0xC380;
	v10 =	vld.idx.msk [tilespmem:v10+s21+$0x0], vm3;
	v14 =	vnsel vm7, $0x0, v14;
	vm7 =	vlt.s32 v5, $0xC37F  }
0x17d: {  	v6 =	vld.idx.msk [tilespmem:v6+s20+$0x0], vm1;
	v5 =	vnsel vm7, $0xC37F, v5  }
0x17e: {  	v12 =	vld.idx.msk [tilespmem:v12+s21+$0x0], vm5  }
0x17f: {  	v11 =	vld.idx.msk [tilespmem:v11+s20+$0x0], vm2  }
0x180: {  	v15 =	vld [tilespmem:s1+$0x10]  }
0x181: {  	v14 =	vld.idx.msk [tilespmem:v14+s21+$0x0], vm6  }
0x182: {  	v5 =	vld.idx.msk [tilespmem:v5+s20+$0x0], vm4;
	_ =	swait.ge [sflag:s26], $0x1000  }
0x183: {  	s0 =	simm.s32 $0x0;
	[sflag:s26] =	ssyncset.done $0x0  }
0x184: {  	v4 =	vsub.f32 v4, v13;
	v8 =	vmul.f32 v8, v8;
	s0 =	sand.u32 $0xFC0, s0;
	[sflag:s26] =	ssyncadd.s32 $0xFFFFF000  }
0x185: {  	v3 =	vsel vm0, v3, v7;
	[tilespmem:s28], [sflag:$0x4] =	stream.strided.gather [hbm4b:s15+s18], $0x1000, s19, s18, $0x38;
	[tilespmem:$0x1E780] =	vst v63  }
0x186: {  	v8 =	vadd.f32 v8, v9;
	v4 =	vmul.f32 v4, v4;
	v1 =	vsub.f32 v1, v3;
	v13 =	vld [tilespmem:s0+$0x2000]  }
0x187: {  	s2 =	simm.s32 $0x2030;
	v6 =	vsel vm1, v6, v10  }
0x188: {  	v4 =	vadd.f32 v4, v8;
	v1 =	vmul.f32 v1, v1;
	v2 =	vsub.f32 v2, v6;
	v3 =	vld [tilespmem:s2+$0xFFFFFFE0]  }
0x189: {  	v6 =	vsel vm2, v11, v12  }
0x18a: {  	v0 =	vsub.f32 v0, v6;
	v1 =	vadd.f32 v1, v4;
	v2 =	vmul.f32 v2, v2  }
0x18b: {  	s1 =	simm.s32 $0x1C720;
	v8 =	vld [tilespmem:s2+$0xFFFFFFF0];
	vm0 =	vlt.s32 v13, $0xC380;
	v7 =	vadd.s32 $0xFFFF3C80, v13;
	vm1 =	vlt.s32 v13, $0xC37F  }
0x18c: {  	v10 =	vld [tilespmem:s1+$0xFFFFFFE0];
	vm2 =	vge.s32 v13, $0xC380;
	vm3 =	vgt.s32 v7, $0x0;
	v9 =	vnsel vm1, $0xC37F, v13  }
0x18d: {  	v1 =	vadd.f32 v2, v1;
	v2 =	vld [tilespmem:s1+$0x0];
	v4 =	vnsel vm3, $0x0, v7;
	v7 =	vadd.s32 $0xFFFF3C80, v3  }
0x18e: {  	s3 =	simm.s32 $0x40;
	v0 =	vmul.f32 v0, v0;
	v12 =	vld [tilespmem:s1+$0xFFFFFFF0];
	vm1 =	vgt.s32 v7, $0x0  }
0x18f: {  	s0 =	sand.u32 $0xFC0, s3;
	v5 =	vsel vm4, v5, v14;
	vm3 =	vge.s32 v3, $0xC380;
	v6 =	vnsel vm1, $0x0, v7;
	v7 =	vld [tilespmem:s2+$0x0]  }
0x190: {  	vm5 =	vlt.s32 v3, $0xC37F;
	v11 =	vadd.s32 $0xFFFF3C80, v8;
	v13 =	vld [tilespmem:s0+$0x2000];
	vm1 =	vlt.s32 v3, $0xC380  }
0x191: {  	vm4 =	vgt.s32 v11, $0x0;
	v3 =	vnsel vm5, $0xC37F, v3;
	vm5 =	vge.s32 v8, $0xC380;
	v9 =	vld.idx.msk [tilespmem:v9+s20+$0x0], vm0  }
0x192: {  	v5 =	vsub.f32 v15, v5;
	s0 =	simm.s32 $0x2070;
	v11 =	vnsel vm4, $0x0, v11;
	v4 =	vld.idx.msk [tilespmem:v4+s21+$0x0], vm2  }
0x193: {  	v0 =	vadd.f32 v0, v1;
	vm6 =	vlt.s32 v8, $0xC37F;
	v15 =	vld [tilespmem:s0+$0xFFFFFFE0];
	vm2 =	vlt.s32 v8, $0xC380  }
0x194: {  	v5 =	vmul.f32 v5, v5;
	v16 =	vld [tilespmem:s0+$0xFFFFFFF0];
	v8 =	vnsel vm6, $0xC37F, v8;
	v1 =	vadd.s32 $0xFFFF3C80, v7  }
0x195: {  	v6 =	vld.idx.msk [tilespmem:v6+s21+$0x0], vm3;
	vm4 =	vlt.s32 v7, $0xC380;
	vm7 =	vlt.s32 v7, $0xC37F;
	vm6 =	vgt.s32 v1, $0x0  }
0x196: {  	vm3 =	vge.s32 v7, $0xC380;
	v3 =	vld.idx.msk [tilespmem:v3+s20+$0x0], vm1;
	v7 =	vnsel vm7, $0xC37F, v7;
	v14 =	vnsel vm6, $0x0, v1  }
0x197: {  	vm6 =	vge.s32 v13, $0xC380;
	v1 =	vsel vm0, v9, v4;
	v9 =	vld.idx.msk [tilespmem:v11+s21+$0x0], vm5;
	v11 =	vadd.f32 v5, v0  }
0x198: {  	v4 =	vadd.s32 $0xFFFF3C80, v13;
	vm5 =	vlt.s32 v13, $0xC37F;
	v5 =	vld [tilespmem:s0+$0x0];
	v0 =	vsub.f32 v10, v1  }
0x199: {  	s2 =	simm.s32 $0x1C760;
	vm0 =	vlt.s32 v13, $0xC380;
	v8 =	vld.idx.msk [tilespmem:v8+s20+$0x0], vm2;
	vm7 =	vgt.s32 v4, $0x0;
	v13 =	vnsel vm5, $0xC37F, v13  }
0x19a: {  	v1 =	vld [tilespmem:s2+$0xFFFFFFE0];
	vm5 =	vlt.s32 v15, $0xC37F;
	v18 =	vnsel vm7, $0x0, v4;
	v17 =	vmul.f32 v0, v0  }
0x19b: {  	v0 =	vsel vm1, v3, v6;
	v3 =	vadd.s32 $0xFFFF3C80, v15;
	v19 =	vld.idx.msk [tilespmem:v7+s20+$0x0], vm4;
	vm1 =	vlt.s32 v15, $0xC380  }
0x19c: {  	v14 =	vld.idx.msk [tilespmem:v14+s21+$0x0], vm3;
	vm3 =	vge.s32 v15, $0xC380;
	v12 =	vsub.f32 v12, v0;
	vm7 =	vgt.s32 v3, $0x0  }
0x19d: {  	v4 =	vld [tilespmem:s1+$0x10];
	v6 =	vnsel vm5, $0xC37F, v15;
	vm5 =	vge.s32 v16, $0xC380;
	v10 =	vnsel vm7, $0x0, v3  }
0x19e: {  	v0 =	vld [tilespmem:s2+$0x0];
	v3 =	vsel vm2, v8, v9;
	v9 =	vadd.f32 v17, v11;
	v11 =	vmul.f32 v12, v12  }
0x19f: {  	vm2 =	vlt.s32 v16, $0xC380;
	v12 =	vadd.s32 $0xFFFF3C80, v16;
	v8 =	vsub.f32 v2, v3;
	v3 =	vld.idx.msk [tilespmem:v13+s20+$0x0], vm0  }
0x1a0: {  	v7 =	vld.idx.msk [tilespmem:v18+s21+$0x0], vm6;
	vm6 =	vlt.s32 v16, $0xC37F;
	vm7 =	vgt.s32 v12, $0x0;
	v9 =	vadd.f32 v11, v9  }
0x1a1: {  	s30 =	simm.s32 $0x80;
	s1 =	simm.s32 $0x1C760;
	v2 =	vld [tilespmem:s2+$0xFFFFFFF0];
	v11 =	vnsel vm6, $0xC37F, v16;
	v12 =	vnsel vm7, $0x0, v12;
	v13 =	vsel vm4, v19, v14  }
.LBB2_14:
0x1a2: {  	s3 =	sand.u32 $0xFC0, s30;
	p0 =	sne.s32 s30, $0xFC0;
	s30 =	sadd.s32 $0x40, s30;
	v10 =	vld.idx.msk [tilespmem:v10+s21+$0x0], vm3;
	vm3 =	vge.s32 v5, $0xC380;
	v14 =	vadd.s32 $0xFFFF3C80, v5;
	v4 =	vsub.f32 v4, v13  }
0x1a3: {  	vm4 =	vlt.s32 v5, $0xC380;
	v8 =	vmul.f32 v8, v8;
	v13 =	vld [tilespmem:s3+$0x2000];
	vm6 =	vgt.s32 v14, $0x0  }
0x1a4: {  	vm7 =	vlt.s32 v5, $0xC37F;
	s0 =	sadd.s32 $0x40, s0;
	v6 =	vld.idx.msk [tilespmem:v6+s20+$0x0], vm1;
	v14 =	vnsel vm6, $0x0, v14  }
0x1a5: {  	v5 =	vnsel vm7, $0xC37F, v5;
	v8 =	vadd.f32 v8, v9;
	v4 =	vmul.f32 v4, v4;
	v15 =	vld [tilespmem:s0+$0xFFFFFFE0]  }
0x1a6: {  	v3 =	vsel vm0, v3, v7;
	v7 =	vld.idx.msk [tilespmem:v12+s21+$0x0], vm5  }
0x1a7: {  	s2 =	sadd.s32 $0x40, s2;
	v3 =	vsub.f32 v1, v3;
	v8 =	vadd.f32 v4, v8;
	v9 =	vld.idx.msk [tilespmem:v11+s20+$0x0], vm2  }
0x1a8: {  	v1 =	vld [tilespmem:s2+$0xFFFFFFE0];
	vm6 =	vge.s32 v13, $0xC380;
	vm0 =	vlt.s32 v13, $0xC380;
	v4 =	vadd.s32 $0xFFFF3C80, v13  }
0x1a9: {  	vm5 =	vlt.s32 v13, $0xC37F;
	v3 =	vmul.f32 v3, v3;
	vm7 =	vgt.s32 v4, $0x0;
	v11 =	vld [tilespmem:s0+$0xFFFFFFF0]  }
0x1aa: {  	v12 =	vnsel vm5, $0xC37F, v13;
	v13 =	vnsel vm7, $0x0, v4;
	v4 =	vsel vm1, v6, v10;
	v14 =	vld.idx.msk [tilespmem:v14+s21+$0x0], vm3  }
0x1ab: {  	vm3 =	vge.s32 v15, $0xC380;
	v10 =	vadd.s32 $0xFFFF3C80, v15;
	v2 =	vsub.f32 v2, v4;
	v16 =	vld.idx.msk [tilespmem:v5+s20+$0x0], vm4  }
0x1ac: {  	vm1 =	vlt.s32 v15, $0xC380;
	vm5 =	vlt.s32 v15, $0xC37F;
	vm7 =	vgt.s32 v10, $0x0;
	v4 =	vld [tilespmem:s1+$0x10];
	s1 =	smov.u32 s2  }
.Ltmp6:
0x1ad: {  	v6 =	vnsel vm5, $0xC37F, v15;
	v10 =	vnsel vm7, $0x0, v10;
	v7 =	vsel vm2, v9, v7;
	v5 =	vld [tilespmem:s0+$0x0];
	(pc) =	sbr.rel @p0 .LBB2_14-.Ltmp6, $4  }
0x1ae: {  	v9 =	vadd.f32 v3, v8;
	v2 =	vmul.f32 v2, v2;
	v8 =	vsub.f32 v0, v7;
	v0 =	vld [tilespmem:s2+$0x0]  }
0x1af: {  	vm5 =	vge.s32 v11, $0xC380;
	vm2 =	vlt.s32 v11, $0xC380;
	v3 =	vld.idx.msk [tilespmem:v12+s20+$0x0], vm0;
	v12 =	vadd.s32 $0xFFFF3C80, v11  }
0x1b0: {  	v9 =	vadd.f32 v2, v9;
	v7 =	vld.idx.msk [tilespmem:v13+s21+$0x0], vm6;
	vm6 =	vlt.s32 v11, $0xC37F;
	vm7 =	vgt.s32 v12, $0x0  }
0x1b1: {  	v13 =	vsel vm4, v16, v14;
	v2 =	vld [tilespmem:s2+$0xFFFFFFF0];
	v11 =	vnsel vm6, $0xC37F, v11;
	v12 =	vnsel vm7, $0x0, v12  }
0x1b2: {  	_ =	sdelay $0x2  }
0x1b3: {  	v14 =	vadd.s32 $0xFFFF3C80, v5  }
0x1b4: {  	vm6 =	vge.s32 v5, $0xC380;
	vm7 =	vgt.s32 v14, $0x0  }
0x1b5: {  	vm4 =	vlt.s32 v5, $0xC380;
	v10 =	vld.idx.msk [tilespmem:v10+s21+$0x0], vm3;
	v14 =	vnsel vm7, $0x0, v14;
	vm7 =	vlt.s32 v5, $0xC37F  }
0x1b6: {  	v6 =	vld.idx.msk [tilespmem:v6+s20+$0x0], vm1;
	v5 =	vnsel vm7, $0xC37F, v5  }
0x1b7: {  	v12 =	vld.idx.msk [tilespmem:v12+s21+$0x0], vm5  }
0x1b8: {  	v11 =	vld.idx.msk [tilespmem:v11+s20+$0x0], vm2  }
0x1b9: {  	v15 =	vld [tilespmem:s1+$0x10]  }
0x1ba: {  	v14 =	vld.idx.msk [tilespmem:v14+s21+$0x0], vm6  }
0x1bb: {  	v8 =	vmul.f32 v8, v8;
	v5 =	vld.idx.msk [tilespmem:v5+s20+$0x0], vm4;
	_ =	swait.ge [sflag:s29], $0x1000  }
0x1bc: {  	s0 =	simm.s32 $0x0;
	v4 =	vsub.f32 v4, v13;
	[sflag:s29] =	ssyncset.done $0x0  }
0x1bd: {  	s0 =	sand.u32 $0xFC0, s0;
	v8 =	vadd.f32 v8, v9;
	v3 =	vsel vm0, v3, v7;
	[sflag:s29] =	ssyncadd.s32 $0xFFFFF000  }
0x1be: {  	v4 =	vmul.f32 v4, v4;
	v1 =	vsub.f32 v1, v3;
	v6 =	vsel vm1, v6, v10;
	v13 =	vld [tilespmem:s0+$0x3000]  }
0x1bf: {  	s2 =	simm.s32 $0x3030;
	v2 =	vsub.f32 v2, v6;
	v6 =	vsel vm2, v11, v12  }
0x1c0: {  	v4 =	vadd.f32 v4, v8;
	v1 =	vmul.f32 v1, v1;
	v0 =	vsub.f32 v0, v6;
	v3 =	vld [tilespmem:s2+$0xFFFFFFE0];
	_ =	sdelay $0x1  }
0x1c1: {  	v1 =	vadd.f32 v1, v4;
	v2 =	vmul.f32 v2, v2;
	v0 =	vmul.f32 v0, v0  }
0x1c2: {  	s1 =	simm.s32 $0x1D720;
	v8 =	vld [tilespmem:s2+$0xFFFFFFF0];
	vm0 =	vlt.s32 v13, $0xC380;
	v7 =	vadd.s32 $0xFFFF3C80, v13;
	vm1 =	vlt.s32 v13, $0xC37F  }
0x1c3: {  	v10 =	vld [tilespmem:s1+$0xFFFFFFE0];
	vm2 =	vge.s32 v13, $0xC380;
	vm3 =	vgt.s32 v7, $0x0;
	v9 =	vnsel vm1, $0xC37F, v13  }
0x1c4: {  	v1 =	vadd.f32 v2, v1;
	v2 =	vld [tilespmem:s1+$0x0];
	v4 =	vnsel vm3, $0x0, v7;
	v7 =	vadd.s32 $0xFFFF3C80, v3  }
0x1c5: {  	s3 =	simm.s32 $0x40;
	v12 =	vld [tilespmem:s1+$0xFFFFFFF0];
	vm1 =	vgt.s32 v7, $0x0  }
0x1c6: {  	s0 =	sand.u32 $0xFC0, s3;
	v0 =	vadd.f32 v0, v1;
	vm3 =	vge.s32 v3, $0xC380;
	v6 =	vnsel vm1, $0x0, v7;
	v7 =	vld [tilespmem:s2+$0x0]  }
0x1c7: {  	v5 =	vsel vm4, v5, v14;
	vm5 =	vlt.s32 v3, $0xC37F;
	v13 =	vld [tilespmem:s0+$0x3000];
	vm1 =	vlt.s32 v3, $0xC380  }
0x1c8: {  	v5 =	vsub.f32 v15, v5;
	v11 =	vadd.s32 $0xFFFF3C80, v8;
	v3 =	vnsel vm5, $0xC37F, v3;
	v9 =	vld.idx.msk [tilespmem:v9+s20+$0x0], vm0  }
0x1c9: {  	vm6 =	vlt.s32 v8, $0xC37F;
	vm4 =	vgt.s32 v11, $0x0;
	s0 =	simm.s32 $0x3070;
	vm5 =	vge.s32 v8, $0xC380;
	v4 =	vld.idx.msk [tilespmem:v4+s21+$0x0], vm2  }
0x1ca: {  	v5 =	vmul.f32 v5, v5;
	v11 =	vnsel vm4, $0x0, v11;
	v14 =	vld [tilespmem:s0+$0xFFFFFFE0];
	vm2 =	vlt.s32 v8, $0xC380  }
0x1cb: {  	v16 =	vld [tilespmem:s0+$0xFFFFFFF0];
	v8 =	vnsel vm6, $0xC37F, v8;
	v1 =	vadd.s32 $0xFFFF3C80, v7  }
0x1cc: {  	v15 =	vadd.f32 v5, v0;
	v6 =	vld.idx.msk [tilespmem:v6+s21+$0x0], vm3;
	vm3 =	vge.s32 v7, $0xC380;
	vm6 =	vgt.s32 v1, $0x0  }
0x1cd: {  	s2 =	simm.s32 $0x1D760;
	vm4 =	vlt.s32 v7, $0xC380;
	vm7 =	vlt.s32 v7, $0xC37F;
	v3 =	vld.idx.msk [tilespmem:v3+s20+$0x0], vm1;
	v1 =	vnsel vm6, $0x0, v1  }
0x1ce: {  	v0 =	vld [tilespmem:s2+$0xFFFFFFE0];
	v5 =	vadd.s32 $0xFFFF3C80, v13;
	v7 =	vnsel vm7, $0xC37F, v7;
	v4 =	vsel vm0, v9, v4  }
0x1cf: {  	v11 =	vld.idx.msk [tilespmem:v11+s21+$0x0], vm5;
	vm5 =	vlt.s32 v13, $0xC37F;
	vm7 =	vgt.s32 v5, $0x0;
	v4 =	vsub.f32 v10, v4  }
0x1d0: {  	vm6 =	vge.s32 v13, $0xC380;
	v17 =	vnsel vm7, $0x0, v5;
	vm0 =	vlt.s32 v13, $0xC380;
	v8 =	vld.idx.msk [tilespmem:v8+s20+$0x0], vm2  }
0x1d1: {  	v5 =	vld [tilespmem:s1+$0x10];
	v13 =	vnsel vm5, $0xC37F, v13;
	vm5 =	vlt.s32 v14, $0xC37F;
	v10 =	vmul.f32 v4, v4  }
0x1d2: {  	v3 =	vsel vm1, v3, v6;
	vm1 =	vlt.s32 v14, $0xC380;
	v18 =	vld.idx.msk [tilespmem:v1+s21+$0x0], vm3;
	v1 =	vadd.s32 $0xFFFF3C80, v14  }
0x1d3: {  	v19 =	vld.idx.msk [tilespmem:v7+s20+$0x0], vm4;
	v4 =	vnsel vm5, $0xC37F, v14;
	vm3 =	vge.s32 v14, $0xC380;
	vm7 =	vgt.s32 v1, $0x0  }
0x1d4: {  	vm5 =	vge.s32 v16, $0xC380;
	v6 =	vsub.f32 v12, v3;
	v3 =	vld [tilespmem:s0+$0x0];
	v9 =	vnsel vm7, $0x0, v1  }
0x1d5: {  	v12 =	vadd.s32 $0xFFFF3C80, v16;
	v10 =	vadd.f32 v10, v15;
	v7 =	vsel vm2, v8, v11;
	v1 =	vld [tilespmem:s2+$0x0]  }
0x1d6: {  	v11 =	vmul.f32 v6, v6;
	v6 =	vld.idx.msk [tilespmem:v13+s20+$0x0], vm0;
	vm2 =	vlt.s32 v16, $0xC380;
	vm7 =	vgt.s32 v12, $0x0  }
0x1d7: {  	v8 =	vsub.f32 v2, v7;
	v7 =	vld.idx.msk [tilespmem:v17+s21+$0x0], vm6;
	vm6 =	vlt.s32 v16, $0xC37F;
	v12 =	vnsel vm7, $0x0, v12  }
0x1d8: {  	s30 =	simm.s32 $0x80;
	s1 =	simm.s32 $0x1D760;
	v2 =	vld [tilespmem:s2+$0xFFFFFFF0];
	v10 =	vadd.f32 v11, v10;
	v11 =	vnsel vm6, $0xC37F, v16;
	v13 =	vsel vm4, v19, v18  }
.LBB2_16:
0x1d9: {  	s3 =	sand.u32 $0xFC0, s30;
	p0 =	sne.s32 s30, $0xFC0;
	s30 =	sadd.s32 $0x40, s30;
	v9 =	vld.idx.msk [tilespmem:v9+s21+$0x0], vm3;
	vm3 =	vge.s32 v3, $0xC380;
	v14 =	vadd.s32 $0xFFFF3C80, v3;
	v5 =	vsub.f32 v5, v13  }
0x1da: {  	vm4 =	vlt.s32 v3, $0xC380;
	v8 =	vmul.f32 v8, v8;
	v13 =	vld [tilespmem:s3+$0x3000];
	vm6 =	vgt.s32 v14, $0x0  }
0x1db: {  	vm7 =	vlt.s32 v3, $0xC37F;
	s0 =	sadd.s32 $0x40, s0;
	v4 =	vld.idx.msk [tilespmem:v4+s20+$0x0], vm1;
	v14 =	vnsel vm6, $0x0, v14  }
0x1dc: {  	v3 =	vnsel vm7, $0xC37F, v3;
	v8 =	vadd.f32 v8, v10;
	v5 =	vmul.f32 v5, v5;
	v15 =	vld [tilespmem:s0+$0xFFFFFFE0]  }
0x1dd: {  	v6 =	vsel vm0, v6, v7;
	v7 =	vld.idx.msk [tilespmem:v12+s21+$0x0], vm5  }
0x1de: {  	s2 =	sadd.s32 $0x40, s2;
	v6 =	vsub.f32 v0, v6;
	v8 =	vadd.f32 v5, v8;
	v10 =	vld.idx.msk [tilespmem:v11+s20+$0x0], vm2  }
0x1df: {  	v0 =	vld [tilespmem:s2+$0xFFFFFFE0];
	vm6 =	vge.s32 v13, $0xC380;
	vm0 =	vlt.s32 v13, $0xC380;
	v5 =	vadd.s32 $0xFFFF3C80, v13  }
0x1e0: {  	vm5 =	vlt.s32 v13, $0xC37F;
	v6 =	vmul.f32 v6, v6;
	vm7 =	vgt.s32 v5, $0x0;
	v11 =	vld [tilespmem:s0+$0xFFFFFFF0]  }
0x1e1: {  	v12 =	vnsel vm5, $0xC37F, v13;
	v4 =	vsel vm1, v4, v9;
	v13 =	vnsel vm7, $0x0, v5;
	v14 =	vld.idx.msk [tilespmem:v14+s21+$0x0], vm3  }
0x1e2: {  	vm3 =	vge.s32 v15, $0xC380;
	v9 =	vadd.s32 $0xFFFF3C80, v15;
	v2 =	vsub.f32 v2, v4;
	v16 =	vld.idx.msk [tilespmem:v3+s20+$0x0], vm4  }
0x1e3: {  	vm1 =	vlt.s32 v15, $0xC380;
	vm5 =	vlt.s32 v15, $0xC37F;
	vm7 =	vgt.s32 v9, $0x0;
	v5 =	vld [tilespmem:s1+$0x10];
	s1 =	smov.u32 s2  }
.Ltmp7:
0x1e4: {  	v4 =	vnsel vm5, $0xC37F, v15;
	v9 =	vnsel vm7, $0x0, v9;
	v7 =	vsel vm2, v10, v7;
	v3 =	vld [tilespmem:s0+$0x0];
	(pc) =	sbr.rel @p0 .LBB2_16-.Ltmp7, $4  }
0x1e5: {  	v10 =	vadd.f32 v6, v8;
	v2 =	vmul.f32 v2, v2;
	v8 =	vsub.f32 v1, v7;
	v1 =	vld [tilespmem:s2+$0x0]  }
0x1e6: {  	vm5 =	vge.s32 v11, $0xC380;
	vm2 =	vlt.s32 v11, $0xC380;
	v6 =	vld.idx.msk [tilespmem:v12+s20+$0x0], vm0;
	v12 =	vadd.s32 $0xFFFF3C80, v11  }
0x1e7: {  	v10 =	vadd.f32 v2, v10;
	v7 =	vld.idx.msk [tilespmem:v13+s21+$0x0], vm6;
	vm6 =	vlt.s32 v11, $0xC37F;
	vm7 =	vgt.s32 v12, $0x0  }
0x1e8: {  	v13 =	vsel vm4, v16, v14;
	v2 =	vld [tilespmem:s2+$0xFFFFFFF0];
	v11 =	vnsel vm6, $0xC37F, v11;
	v12 =	vnsel vm7, $0x0, v12  }
0x1e9: {  	_ =	sdelay $0x2  }
0x1ea: {  	v14 =	vadd.s32 $0xFFFF3C80, v3;
	vm7 =	vlt.s32 v3, $0xC380;
	vm15 =	vlt.s32 v3, $0xC37F  }
0x1eb: {  	vm4 =	vge.s32 v3, $0xC380;
	vm6 =	vgt.s32 v14, $0x0;
	v3 =	vnsel vm15, $0xC37F, v3  }
0x1ec: {  	v9 =	vld.idx.msk [tilespmem:v9+s21+$0x0], vm3;
	v14 =	vnsel vm6, $0x0, v14  }
0x1ed: {  	v4 =	vld.idx.msk [tilespmem:v4+s20+$0x0], vm1  }
0x1ee: {  	v12 =	vld.idx.msk [tilespmem:v12+s21+$0x0], vm5  }
0x1ef: {  	v5 =	vsub.f32 v5, v13;
	v8 =	vmul.f32 v8, v8;
	v11 =	vld.idx.msk [tilespmem:v11+s20+$0x0], vm2  }
0x1f0: {  	v6 =	vsel vm0, v6, v7;
	v3 =	vld.idx.msk [tilespmem:v3+s20+$0x0], vm7  }
0x1f1: {  	v8 =	vadd.f32 v8, v10;
	v5 =	vmul.f32 v5, v5;
	v0 =	vsub.f32 v0, v6;
	v59 =	vld.idx.msk [tilespmem:v14+s21+$0x0], vm4  }
0x1f2: {  	v60 =	vld [tilespmem:s1+$0x10];
	v4 =	vsel vm1, v4, v9  }
0x1f3: {  	v5 =	vadd.f32 v5, v8;
	v0 =	vmul.f32 v0, v0;
	v2 =	vsub.f32 v2, v4  }
0x1f4: {  	v61 =	vsel vm2, v11, v12  }
0x1f5: {  	v1 =	vsub.f32 v1, v61;
	v0 =	vadd.f32 v0, v5;
	v2 =	vmul.f32 v2, v2  }
0x1f6: {  	v3 =	vsel vm7, v3, v59  }
0x1f7: {  	v1 =	vmul.f32 v1, v1;
	v0 =	vadd.f32 v2, v0;
	v62 =	vsub.f32 v60, v3;
	_ =	sdelay $0x1  }
0x1f8: {  	v0 =	vadd.f32 v1, v0;
	v63 =	vmul.f32 v62, v62;
	_ =	sdelay $0x1  }
0x1f9: {  	s31 =	sadd.s32 $0x1, s31;
	v0 =	vadd.f32 v63, v0  }
0x1fa: {  	p0 =	sne.s32 s31, s17  }
.Ltmp8:
0x1fb: {  	s30 =	simm.s32 $0x0;
	s0 =	simm.s32 $0x1E700;
	[tilespmem:$0x1E700] =	vst v0;
	(pc) =	sbr.rel @p0 .LBB2_1-.Ltmp8, $4  }
0x1fc: {  	[hbm4b:s16+s30] =	stream.linear.scatter [tilespmem:s0], [sflag:$0x5], $0x80, $0x38;
	[tilespmem:$0x1E780] =	vst v63  }
0x1fd: {  	_ =	swait.ge [sflag:s23], $0x80  }
0x1fe: {  	[sflag:s23] =	ssyncset.done $0x0  }
0x1ff: {  	[sflag:s23] =	ssyncadd.s32 $0xFFFFFF80  }
0x200: {  	_ =	sfence.sel $0x180000  }
0x201: {  	[bflag:$0x0] =	sbarrier.arrive $0xFFFF  }
0x202: {  	_ =	strace $0x90000047  }
0x203: {  	s0 =	stileid.u32;
	[bflag:$0x2] =	sbarrier.arrive $0xFFFF  }
0x204: {  	p0 =	sne.s32 s0, $0x0;
	s0 =	rddreg [dreg:$0x4]  }
0x205: {  	s0 =	sadd.s32 @!p0 $0x100000, s0  }
0x206: {  	[sflag:s0] =	ssyncadd.tile.s32 @!p0 $0x1;
	_ =	shalt  }
.Lfunc_end2:
_tile_overlayer_lowered:
.L_overlay_start_2:
0x207: {  	(tag) =	ssettag $0x2  }
0x208: {  	s0 =	rddreg [dreg:$0x0];
	s2 =	stileid.u32  }
0x209: {  	s1 =	rddreg [dreg:$0x1];
	p0 =	sne.s32 s2, $0x0  }
0x20a: {  	s3 =	rddreg [dreg:$0x2];
	[bflag:$0x3] =	sbarrier.arrive $0xFFFF;
	s2 =	simm.s32 @!p0 $0x1C05  }
0x20b: {  	[timem:s3], [sflag:s2] =	dma.local @!p0 [hbm:s0], s1  }
0x20c: {  	s0 =	simm.s32 @!p0 $0x5  }
0x20d: {  	_ =	swait.ge @!p0 [sflag:s0], s1  }
0x20e: {  	s1 =	ssub.s32 @!p0 $0x0, s1;
	[sflag:s0] =	ssyncset.done @!p0 $0x0  }
0x20f: {  	[sflag:s0] =	ssyncadd.s32 @!p0 s1  }
0x210: {  	[bflag:$0x3] =	sbarrier.arrive $0xFFFF  }
0x211: {  	_ =	shalt  }

</sc_bundles>
